<compile_context>
chip_gen: v7x
topology: tpu7x:2x2x1
jax: 0.10.2.dev20260603
libtpu: 0.0.44.dev20260713+nightly
codegen_flags: <defaults>
</compile_context>

<pallas_src>
import functools
import jax
import jax.numpy as jnp
from jax import lax
from jax.experimental import pallas as pl
from jax.experimental.pallas import tpu as pltpu
from jax.experimental.pallas import tpu_sc as plsc

EMB = 16
NC = 2
NS = 16
NW = NC * NS
EB = 16000
CH = 2000

_MESH = functools.partial(
    plsc.VectorSubcoreMesh, core_axis_name="c", subcore_axis_name="s",
    num_cores=NC, num_subcores=NS)
_SC_PARAMS = pltpu.CompilerParams(use_tc_tiling_on_sc=False)


def _sc_gather(h, src):
    M = src.shape[0]
    per_w = M // NW
    n_chunks = per_w // CH

    @functools.partial(
        pl.kernel,
        out_type=jax.ShapeDtypeStruct((M, EMB), jnp.float32),
        mesh=_MESH(),
        scratch_types=[
            pltpu.VMEM((CH,), jnp.int32),
            pltpu.VMEM((CH, EMB), jnp.float32),
            pltpu.SemaphoreType.DMA,
        ],
        compiler_params=_SC_PARAMS,
    )
    def k(h_hbm, src_hbm, out_hbm, idx_v, rows_v, sem):
        wid = lax.axis_index("s") * NC + lax.axis_index("c")
        base = wid * per_w
        for c in range(n_chunks):
            off = base + c * CH
            pltpu.sync_copy(src_hbm.at[pl.ds(off, CH)], idx_v)
            pltpu.async_copy(h_hbm.at[idx_v], rows_v, sem).wait()
            pltpu.sync_copy(rows_v, out_hbm.at[pl.ds(off, CH)])

    return k(h, src)


def _sc_scatter(m, dst, n_nodes):
    M = m.shape[0]
    per_w = M // NW
    n_chunks = per_w // CH
    rpt = n_nodes // NS

    @functools.partial(
        pl.kernel,
        out_type=jax.ShapeDtypeStruct((NC, n_nodes, EMB), jnp.float32),
        mesh=_MESH(),
        scratch_types=[
            pltpu.VMEM((CH,), jnp.int32),
            pltpu.VMEM((CH, EMB), jnp.float32),
            pltpu.VMEM_SHARED((n_nodes, EMB), jnp.float32),
            pltpu.SemaphoreType.DMA,
        ],
        compiler_params=_SC_PARAMS,
    )
    def k(m_hbm, dst_hbm, out_hbm, idx_v, rows_v, acc_sh, sem):
        cid = lax.axis_index("c")
        sid = lax.axis_index("s")
        wid = sid * NC + cid

        def zero_row(i, _):
            rows_v[i, :] = jnp.zeros((EMB,), jnp.float32)
            return 0
        lax.fori_loop(0, rpt, zero_row, 0)
        pltpu.sync_copy(rows_v.at[pl.ds(0, rpt)], acc_sh.at[pl.ds(sid * rpt, rpt)])
        plsc.subcore_barrier()

        base = wid * per_w
        for c in range(n_chunks):
            off = base + c * CH
            pltpu.sync_copy(dst_hbm.at[pl.ds(off, CH)], idx_v)
            pltpu.sync_copy(m_hbm.at[pl.ds(off, CH)], rows_v)
            pltpu.sync_copy(rows_v, acc_sh.at[idx_v], add=True)
        plsc.subcore_barrier()

        pltpu.sync_copy(acc_sh.at[pl.ds(sid * rpt, rpt)], rows_v.at[pl.ds(0, rpt)])
        pltpu.sync_copy(rows_v.at[pl.ds(0, rpt)], out_hbm.at[cid, pl.ds(sid * rpt, rpt)])

    return k(m, dst)


def _dot(x, y):
    return jax.lax.dot_general(x, y, (((1,), (0,)), ((), ())),
                               preferred_element_type=jnp.float32)


RB = EB // 8
PK = 8 * EMB
ZW = 8 * EMB * EMB


def _msg_body(a_ref, hj_ref, r_ref, t_ref, w2_ref, bt_ref, out_ref):
    a = a_ref[...].astype(jnp.bfloat16)
    hj = hj_ref[...].astype(jnp.bfloat16)
    z = _dot(a, r_ref[...]) * _dot(hj, t_ref[...])
    m = _dot(z.astype(jnp.bfloat16), w2_ref[...]) + _dot(hj, bt_ref[...])
    out_ref[...] = m


def _messages(a_p, hj_p, W2p, Btp, Rp, Tp):
    Mr = a_p.shape[0]
    return pl.pallas_call(
        _msg_body,
        grid=(Mr // RB,),
        in_specs=[
            pl.BlockSpec((RB, PK), lambda i: (i, 0)),
            pl.BlockSpec((RB, PK), lambda i: (i, 0)),
            pl.BlockSpec((PK, ZW), lambda i: (0, 0)),
            pl.BlockSpec((PK, ZW), lambda i: (0, 0)),
            pl.BlockSpec((ZW, PK), lambda i: (0, 0)),
            pl.BlockSpec((PK, PK), lambda i: (0, 0)),
        ],
        out_specs=pl.BlockSpec((RB, PK), lambda i: (i, 0)),
        out_shape=jax.ShapeDtypeStruct((Mr, PK), jnp.float32),
    )(a_p, hj_p, Rp, Tp, W2p, Btp)


def _ln_body(h_ref, p_ref, g_ref, b_ref, out_ref):
    x = h_ref[...] + p_ref[0] + p_ref[1]
    mean = jnp.mean(x, axis=-1, keepdims=True)
    var = jnp.mean((x - mean) ** 2, axis=-1, keepdims=True)
    out_ref[...] = (x - mean) * jax.lax.rsqrt(var + 1e-5) * g_ref[...] + b_ref[...]


def _layer_norm(h, partials, gamma, beta):
    N = h.shape[0]
    NB = 2000
    return pl.pallas_call(
        _ln_body,
        grid=(N // NB,),
        in_specs=[
            pl.BlockSpec((NB, EMB), lambda i: (i, 0)),
            pl.BlockSpec((NC, NB, EMB), lambda i: (0, i, 0)),
            pl.BlockSpec((1, EMB), lambda i: (0, 0)),
            pl.BlockSpec((1, EMB), lambda i: (0, 0)),
        ],
        out_specs=pl.BlockSpec((NB, EMB), lambda i: (i, 0)),
        out_shape=jax.ShapeDtypeStruct((N, EMB), jnp.float32),
    )(h, partials, gamma.reshape(1, EMB), beta.reshape(1, EMB))


def kernel(h, edge_index, edge_attr, W_lin, b_lin, ln_gamma, ln_beta):
    dst = edge_index[0].astype(jnp.int32)
    src = edge_index[1].astype(jnp.int32)
    M = edge_attr.shape[0]
    W2 = W_lin.reshape(EMB, EMB, EMB).transpose(2, 1, 0).reshape(EMB * EMB, EMB)
    Bt = b_lin.reshape(EMB, EMB).T
    eye = jnp.eye(EMB, dtype=jnp.float32)
    R = jnp.repeat(eye, EMB, axis=1)
    T = jnp.tile(eye, (1, EMB))
    eye8 = jnp.eye(8, dtype=jnp.float32)
    Rp = jnp.kron(eye8, R).astype(jnp.bfloat16)
    Tp = jnp.kron(eye8, T).astype(jnp.bfloat16)
    W2p = jnp.kron(eye8, W2).astype(jnp.bfloat16)
    Btp = jnp.kron(eye8, Bt).astype(jnp.bfloat16)

    h_j = _sc_gather(h, src)
    m = _messages(edge_attr.reshape(M // 8, PK), h_j.reshape(M // 8, PK),
                  W2p, Btp, Rp, Tp)
    partials = _sc_scatter(m.reshape(M, EMB), dst, h.shape[0])
    return _layer_norm(h, partials, ln_gamma, ln_beta)

# --- scband reference (transcript-rebuilt; emitter-appended) ---
"""Pipeline reference for scband-edge-network-70712341561618 (READ-ONLY COPY).

The authoritative reference and input builder live on the scoring server;
editing this copy changes nothing except your own understanding.
"""

import jax, jax.numpy as jnp
import numpy as np

N_NODES = 10000
N_EDGES = 320000
EMB = 16
IN_DIM = 16


def setup_inputs(seed: int = 0) -> dict:
    key = jax.random.key(seed)
    k1, k2, k3, k4, k5 = jax.random.split(key, 5)
    h = jax.random.normal(k1, (N_NODES, EMB), dtype=jnp.float32)
    edge_index = jax.random.randint(k2, (2, N_EDGES), 0, N_NODES, dtype=jnp.int64)
    edge_attr = jax.random.normal(k3, (N_EDGES, IN_DIM), dtype=jnp.float32)
    # Linear(in_dim, emb*emb) with xavier_uniform weight, zero bias
    fan_in, fan_out = IN_DIM, EMB * EMB
    limit = float(np.sqrt(6.0 / (fan_in + fan_out)))
    W_lin = jax.random.uniform(k4, (EMB * EMB, IN_DIM), dtype=jnp.float32, minval=-limit, maxval=limit)
    b_lin = jnp.zeros((EMB * EMB,), dtype=jnp.float32)
    ln_gamma = jnp.ones((EMB,), dtype=jnp.float32)
    ln_beta = jnp.zeros((EMB,), dtype=jnp.float32)
    return {"h": h, "edge_index": edge_index, "edge_attr": edge_attr,
            "W_lin": W_lin, "b_lin": b_lin, "ln_gamma": ln_gamma, "ln_beta": ln_beta}


def layer_norm(x, gamma, beta, eps=1e-5):
    mean = jnp.mean(x, axis=-1, keepdims=True)
    var = jnp.var(x, axis=-1, keepdims=True)
    return (x - mean) / jnp.sqrt(var + eps) * gamma + beta


def reference(h, edge_index, edge_attr, W_lin, b_lin, ln_gamma, ln_beta):
    M = edge_index.shape[1]
    E = h.shape[1]
    # lin(edge_attr).view(M, E, E)
    m = (edge_attr @ W_lin.T + b_lin).reshape(M, E, E)
    # gather source node features: h[edge_index[1]] -> [M, E, 1]
    h_j = jnp.take(h, edge_index[1], axis=0)[:, :, None]
    # per-edge matvec: [M, E, E] @ [M, E, 1] -> [M, E]
    m = jnp.squeeze(m @ h_j, axis=-1)
    # scatter-add into destination nodes
    aggr = jnp.zeros_like(h).at[edge_index[0]].add(m)
    return layer_norm(h + aggr, ln_gamma, ln_beta)

if __name__ == "__main__":
    import jax
    _d = setup_inputs()
    print(jax.jit(kernel)(*tuple(_d.values())))

</pallas_src>

<mosaic_0001>
#map = affine_map<(d0, d1) -> (0, 0)>
#map1 = affine_map<(d0, d1) -> (0)>
module attributes {stable_mosaic.version = 14 : i64} {
  func.func @k(%arg0: i32, %arg1: i32, %arg2: memref<10000x16xf32, #tpu.memory_space<hbm>>, %arg3: memref<320000xi32, #tpu.memory_space<hbm>>, %arg4: memref<320000x16xf32, #tpu.memory_space<hbm>>, %arg5: memref<2000xi32, #tpu.memory_space<vmem>>, %arg6: memref<2000x16xf32, #tpu.memory_space<vmem>>, %arg7: memref<!tpu.dma_semaphore, #tpu.memory_space<semaphore_mem>>) attributes {dimension_semantics = [#tpu.dimension_semantics<core_parallel>, #tpu.dimension_semantics<subcore_parallel>], iteration_bounds = array<i64: 2, 16>, scalar_prefetch = 0 : i64, scratch_operands = 3 : i64, tpu.core_type = #tpu.core_type<sc_vector_subcore>, window_params = [{transform_indices = #map}, {transform_indices = #map1}, {transform_indices = #map}]} {
    %mul3A = arith.constant 2 : i32
    %mul3A_0 = arith.muli %arg1, %mul3A : i32
    %add3A = arith.addi %mul3A_0, %arg0 : i32
    %mul3A_1 = arith.constant 10000 : i32
    %mul3A_2 = arith.muli %add3A, %mul3A_1 : i32
    %add3A_3 = arith.constant 0 : i32
    %add3A_4 = arith.addi %mul3A_2, %add3A_3 : i32
    "tpu.region"() ({
      %run_scoped3A = tpu.sem_alloc : memref<!tpu.dma_semaphore, #tpu.memory_space<semaphore_mem>>
      %dma_start3A_41 = tpu.memref_slice %arg3[%add3A_4] : memref<320000xi32, #tpu.memory_space<hbm>> -> memref<2000xi32, #tpu.memory_space<hbm>>
      %dma_start3A_42 = tpu.memref_slice %arg3[%add3A_4] : memref<320000xi32, #tpu.memory_space<hbm>> -> memref<2000xi32, #tpu.memory_space<hbm>>
      tpu.enqueue_dma source(%dma_start3A_42 : memref<2000xi32, #tpu.memory_space<hbm>>) target(%arg5 : memref<2000xi32, #tpu.memory_space<vmem>>) target_semaphore(%run_scoped3A : memref<!tpu.dma_semaphore, #tpu.memory_space<semaphore_mem>>)
      %dma_wait3A_43 = tpu.memref_slice %arg3[%add3A_4] : memref<320000xi32, #tpu.memory_space<hbm>> -> memref<2000xi32, #tpu.memory_space<hbm>>
      %dma_wait3A_44 = tpu.memref_slice %arg3[%add3A_4] : memref<320000xi32, #tpu.memory_space<hbm>> -> memref<2000xi32, #tpu.memory_space<hbm>>
      tpu.wait_dma2 semaphore(%run_scoped3A : memref<!tpu.dma_semaphore, #tpu.memory_space<semaphore_mem>>) src(%dma_wait3A_44 : memref<2000xi32, #tpu.memory_space<hbm>>) dst(%arg5 : memref<2000xi32, #tpu.memory_space<vmem>>)
      tpu.yield
    }) : () -> ()
    %dma_start3A = arith.constant 0 : i32
    %dma_start3A_5 = arith.constant 0 : i32
    %dma_start3A_6 = tpu.memref_slice %arg2[%dma_start3A, %dma_start3A_5] : memref<10000x16xf32, #tpu.memory_space<hbm>> -> memref<10000x16xf32, #tpu.memory_space<hbm>>
    tpu.enqueue_indirect_dma source(%dma_start3A_6 : memref<10000x16xf32, #tpu.memory_space<hbm>>) target(%arg6 : memref<2000x16xf32, #tpu.memory_space<vmem>>) offsets(%arg5 : memref<2000xi32, #tpu.memory_space<vmem>>) semaphore(%arg7 : memref<!tpu.dma_semaphore, #tpu.memory_space<semaphore_mem>>)
    %dma_wait3A = arith.constant 0 : i32
    %dma_wait3A_7 = arith.constant 0 : i32
    %dma_wait3A_8 = tpu.memref_slice %arg2[%dma_wait3A, %dma_wait3A_7] : memref<10000x16xf32, #tpu.memory_space<hbm>> -> memref<10000x16xf32, #tpu.memory_space<hbm>>
    tpu.wait_indirect_dma semaphore(%arg7 : memref<!tpu.dma_semaphore, #tpu.memory_space<semaphore_mem>>) src(%dma_wait3A_8 : memref<10000x16xf32, #tpu.memory_space<hbm>>) dst(%arg6 : memref<2000x16xf32, #tpu.memory_space<vmem>>)
    "tpu.region"() ({
      %run_scoped3A = tpu.sem_alloc : memref<!tpu.dma_semaphore, #tpu.memory_space<semaphore_mem>>
      %dma_start3A_41 = arith.constant 0 : i32
      %dma_start3A_42 = tpu.memref_slice %arg4[%add3A_4, %dma_start3A_41] : memref<320000x16xf32, #tpu.memory_space<hbm>> -> memref<2000x16xf32, #tpu.memory_space<hbm>>
      %dma_start3A_43 = arith.constant 0 : i32
      %dma_start3A_44 = tpu.memref_slice %arg4[%add3A_4, %dma_start3A_43] : memref<320000x16xf32, #tpu.memory_space<hbm>> -> memref<2000x16xf32, #tpu.memory_space<hbm>>
      tpu.enqueue_dma source(%arg6 : memref<2000x16xf32, #tpu.memory_space<vmem>>) target(%dma_start3A_44 : memref<2000x16xf32, #tpu.memory_space<hbm>>) target_semaphore(%run_scoped3A : memref<!tpu.dma_semaphore, #tpu.memory_space<semaphore_mem>>)
      %dma_wait3A_45 = arith.constant 0 : i32
      %dma_wait3A_46 = tpu.memref_slice %arg4[%add3A_4, %dma_wait3A_45] : memref<320000x16xf32, #tpu.memory_space<hbm>> -> memref<2000x16xf32, #tpu.memory_space<hbm>>
      %dma_wait3A_47 = arith.constant 0 : i32
      %dma_wait3A_48 = tpu.memref_slice %arg4[%add3A_4, %dma_wait3A_47] : memref<320000x16xf32, #tpu.memory_space<hbm>> -> memref<2000x16xf32, #tpu.memory_space<hbm>>
      tpu.wait_dma2 semaphore(%run_scoped3A : memref<!tpu.dma_semaphore, #tpu.memory_space<semaphore_mem>>) src(%arg6 : memref<2000x16xf32, #tpu.memory_space<vmem>>) dst(%dma_wait3A_48 : memref<2000x16xf32, #tpu.memory_space<hbm>>)
      tpu.yield
    }) : () -> ()
    %add3A_9 = arith.constant 2000 : i32
    %add3A_10 = arith.addi %mul3A_2, %add3A_9 : i32
    "tpu.region"() ({
      %run_scoped3A = tpu.sem_alloc : memref<!tpu.dma_semaphore, #tpu.memory_space<semaphore_mem>>
      %dma_start3A_41 = tpu.memref_slice %arg3[%add3A_10] : memref<320000xi32, #tpu.memory_space<hbm>> -> memref<2000xi32, #tpu.memory_space<hbm>>
      %dma_start3A_42 = tpu.memref_slice %arg3[%add3A_10] : memref<320000xi32, #tpu.memory_space<hbm>> -> memref<2000xi32, #tpu.memory_space<hbm>>
      tpu.enqueue_dma source(%dma_start3A_42 : memref<2000xi32, #tpu.memory_space<hbm>>) target(%arg5 : memref<2000xi32, #tpu.memory_space<vmem>>) target_semaphore(%run_scoped3A : memref<!tpu.dma_semaphore, #tpu.memory_space<semaphore_mem>>)
      %dma_wait3A_43 = tpu.memref_slice %arg3[%add3A_10] : memref<320000xi32, #tpu.memory_space<hbm>> -> memref<2000xi32, #tpu.memory_space<hbm>>
      %dma_wait3A_44 = tpu.memref_slice %arg3[%add3A_10] : memref<320000xi32, #tpu.memory_space<hbm>> -> memref<2000xi32, #tpu.memory_space<hbm>>
      tpu.wait_dma2 semaphore(%run_scoped3A : memref<!tpu.dma_semaphore, #tpu.memory_space<semaphore_mem>>) src(%dma_wait3A_44 : memref<2000xi32, #tpu.memory_space<hbm>>) dst(%arg5 : memref<2000xi32, #tpu.memory_space<vmem>>)
      tpu.yield
    }) : () -> ()
    %dma_start3A_11 = arith.constant 0 : i32
    %dma_start3A_12 = arith.constant 0 : i32
    %dma_start3A_13 = tpu.memref_slice %arg2[%dma_start3A_11, %dma_start3A_12] : memref<10000x16xf32, #tpu.memory_space<hbm>> -> memref<10000x16xf32, #tpu.memory_space<hbm>>
    tpu.enqueue_indirect_dma source(%dma_start3A_13 : memref<10000x16xf32, #tpu.memory_space<hbm>>) target(%arg6 : memref<2000x16xf32, #tpu.memory_space<vmem>>) offsets(%arg5 : memref<2000xi32, #tpu.memory_space<vmem>>) semaphore(%arg7 : memref<!tpu.dma_semaphore, #tpu.memory_space<semaphore_mem>>)
    %dma_wait3A_14 = arith.constant 0 : i32
    %dma_wait3A_15 = arith.constant 0 : i32
    %dma_wait3A_16 = tpu.memref_slice %arg2[%dma_wait3A_14, %dma_wait3A_15] : memref<10000x16xf32, #tpu.memory_space<hbm>> -> memref<10000x16xf32, #tpu.memory_space<hbm>>
    tpu.wait_indirect_dma semaphore(%arg7 : memref<!tpu.dma_semaphore, #tpu.memory_space<semaphore_mem>>) src(%dma_wait3A_16 : memref<10000x16xf32, #tpu.memory_space<hbm>>) dst(%arg6 : memref<2000x16xf32, #tpu.memory_space<vmem>>)
    "tpu.region"() ({
      %run_scoped3A = tpu.sem_alloc : memref<!tpu.dma_semaphore, #tpu.memory_space<semaphore_mem>>
      %dma_start3A_41 = arith.constant 0 : i32
      %dma_start3A_42 = tpu.memref_slice %arg4[%add3A_10, %dma_start3A_41] : memref<320000x16xf32, #tpu.memory_space<hbm>> -> memref<2000x16xf32, #tpu.memory_space<hbm>>
      %dma_start3A_43 = arith.constant 0 : i32
      %dma_start3A_44 = tpu.memref_slice %arg4[%add3A_10, %dma_start3A_43] : memref<320000x16xf32, #tpu.memory_space<hbm>> -> memref<2000x16xf32, #tpu.memory_space<hbm>>
      tpu.enqueue_dma source(%arg6 : memref<2000x16xf32, #tpu.memory_space<vmem>>) target(%dma_start3A_44 : memref<2000x16xf32, #tpu.memory_space<hbm>>) target_semaphore(%run_scoped3A : memref<!tpu.dma_semaphore, #tpu.memory_space<semaphore_mem>>)
      %dma_wait3A_45 = arith.constant 0 : i32
      %dma_wait3A_46 = tpu.memref_slice %arg4[%add3A_10, %dma_wait3A_45] : memref<320000x16xf32, #tpu.memory_space<hbm>> -> memref<2000x16xf32, #tpu.memory_space<hbm>>
      %dma_wait3A_47 = arith.constant 0 : i32
      %dma_wait3A_48 = tpu.memref_slice %arg4[%add3A_10, %dma_wait3A_47] : memref<320000x16xf32, #tpu.memory_space<hbm>> -> memref<2000x16xf32, #tpu.memory_space<hbm>>
      tpu.wait_dma2 semaphore(%run_scoped3A : memref<!tpu.dma_semaphore, #tpu.memory_space<semaphore_mem>>) src(%arg6 : memref<2000x16xf32, #tpu.memory_space<vmem>>) dst(%dma_wait3A_48 : memref<2000x16xf32, #tpu.memory_space<hbm>>)
      tpu.yield
    }) : () -> ()
    %add3A_17 = arith.constant 4000 : i32
    %add3A_18 = arith.addi %mul3A_2, %add3A_17 : i32
    "tpu.region"() ({
      %run_scoped3A = tpu.sem_alloc : memref<!tpu.dma_semaphore, #tpu.memory_space<semaphore_mem>>
      %dma_start3A_41 = tpu.memref_slice %arg3[%add3A_18] : memref<320000xi32, #tpu.memory_space<hbm>> -> memref<2000xi32, #tpu.memory_space<hbm>>
      %dma_start3A_42 = tpu.memref_slice %arg3[%add3A_18] : memref<320000xi32, #tpu.memory_space<hbm>> -> memref<2000xi32, #tpu.memory_space<hbm>>
      tpu.enqueue_dma source(%dma_start3A_42 : memref<2000xi32, #tpu.memory_space<hbm>>) target(%arg5 : memref<2000xi32, #tpu.memory_space<vmem>>) target_semaphore(%run_scoped3A : memref<!tpu.dma_semaphore, #tpu.memory_space<semaphore_mem>>)
      %dma_wait3A_43 = tpu.memref_slice %arg3[%add3A_18] : memref<320000xi32, #tpu.memory_space<hbm>> -> memref<2000xi32, #tpu.memory_space<hbm>>
      %dma_wait3A_44 = tpu.memref_slice %arg3[%add3A_18] : memref<320000xi32, #tpu.memory_space<hbm>> -> memref<2000xi32, #tpu.memory_space<hbm>>
      tpu.wait_dma2 semaphore(%run_scoped3A : memref<!tpu.dma_semaphore, #tpu.memory_space<semaphore_mem>>) src(%dma_wait3A_44 : memref<2000xi32, #tpu.memory_space<hbm>>) dst(%arg5 : memref<2000xi32, #tpu.memory_space<vmem>>)
      tpu.yield
    }) : () -> ()
    %dma_start3A_19 = arith.constant 0 : i32
    %dma_start3A_20 = arith.constant 0 : i32
    %dma_start3A_21 = tpu.memref_slice %arg2[%dma_start3A_19, %dma_start3A_20] : memref<10000x16xf32, #tpu.memory_space<hbm>> -> memref<10000x16xf32, #tpu.memory_space<hbm>>
    tpu.enqueue_indirect_dma source(%dma_start3A_21 : memref<10000x16xf32, #tpu.memory_space<hbm>>) target(%arg6 : memref<2000x16xf32, #tpu.memory_space<vmem>>) offsets(%arg5 : memref<2000xi32, #tpu.memory_space<vmem>>) semaphore(%arg7 : memref<!tpu.dma_semaphore, #tpu.memory_space<semaphore_mem>>)
    %dma_wait3A_22 = arith.constant 0 : i32
    %dma_wait3A_23 = arith.constant 0 : i32
    %dma_wait3A_24 = tpu.memref_slice %arg2[%dma_wait3A_22, %dma_wait3A_23] : memref<10000x16xf32, #tpu.memory_space<hbm>> -> memref<10000x16xf32, #tpu.memory_space<hbm>>
    tpu.wait_indirect_dma semaphore(%arg7 : memref<!tpu.dma_semaphore, #tpu.memory_space<semaphore_mem>>) src(%dma_wait3A_24 : memref<10000x16xf32, #tpu.memory_space<hbm>>) dst(%arg6 : memref<2000x16xf32, #tpu.memory_space<vmem>>)
    "tpu.region"() ({
      %run_scoped3A = tpu.sem_alloc : memref<!tpu.dma_semaphore, #tpu.memory_space<semaphore_mem>>
      %dma_start3A_41 = arith.constant 0 : i32
      %dma_start3A_42 = tpu.memref_slice %arg4[%add3A_18, %dma_start3A_41] : memref<320000x16xf32, #tpu.memory_space<hbm>> -> memref<2000x16xf32, #tpu.memory_space<hbm>>
      %dma_start3A_43 = arith.constant 0 : i32
      %dma_start3A_44 = tpu.memref_slice %arg4[%add3A_18, %dma_start3A_43] : memref<320000x16xf32, #tpu.memory_space<hbm>> -> memref<2000x16xf32, #tpu.memory_space<hbm>>
      tpu.enqueue_dma source(%arg6 : memref<2000x16xf32, #tpu.memory_space<vmem>>) target(%dma_start3A_44 : memref<2000x16xf32, #tpu.memory_space<hbm>>) target_semaphore(%run_scoped3A : memref<!tpu.dma_semaphore, #tpu.memory_space<semaphore_mem>>)
      %dma_wait3A_45 = arith.constant 0 : i32
      %dma_wait3A_46 = tpu.memref_slice %arg4[%add3A_18, %dma_wait3A_45] : memref<320000x16xf32, #tpu.memory_space<hbm>> -> memref<2000x16xf32, #tpu.memory_space<hbm>>
      %dma_wait3A_47 = arith.constant 0 : i32
      %dma_wait3A_48 = tpu.memref_slice %arg4[%add3A_18, %dma_wait3A_47] : memref<320000x16xf32, #tpu.memory_space<hbm>> -> memref<2000x16xf32, #tpu.memory_space<hbm>>
      tpu.wait_dma2 semaphore(%run_scoped3A : memref<!tpu.dma_semaphore, #tpu.memory_space<semaphore_mem>>) src(%arg6 : memref<2000x16xf32, #tpu.memory_space<vmem>>) dst(%dma_wait3A_48 : memref<2000x16xf32, #tpu.memory_space<hbm>>)
      tpu.yield
    }) : () -> ()
    %add3A_25 = arith.constant 6000 : i32
    %add3A_26 = arith.addi %mul3A_2, %add3A_25 : i32
    "tpu.region"() ({
      %run_scoped3A = tpu.sem_alloc : memref<!tpu.dma_semaphore, #tpu.memory_space<semaphore_mem>>
      %dma_start3A_41 = tpu.memref_slice %arg3[%add3A_26] : memref<320000xi32, #tpu.memory_space<hbm>> -> memref<2000xi32, #tpu.memory_space<hbm>>
      %dma_start3A_42 = tpu.memref_slice %arg3[%add3A_26] : memref<320000xi32, #tpu.memory_space<hbm>> -> memref<2000xi32, #tpu.memory_space<hbm>>
      tpu.enqueue_dma source(%dma_start3A_42 : memref<2000xi32, #tpu.memory_space<hbm>>) target(%arg5 : memref<2000xi32, #tpu.memory_space<vmem>>) target_semaphore(%run_scoped3A : memref<!tpu.dma_semaphore, #tpu.memory_space<semaphore_mem>>)
      %dma_wait3A_43 = tpu.memref_slice %arg3[%add3A_26] : memref<320000xi32, #tpu.memory_space<hbm>> -> memref<2000xi32, #tpu.memory_space<hbm>>
      %dma_wait3A_44 = tpu.memref_slice %arg3[%add3A_26] : memref<320000xi32, #tpu.memory_space<hbm>> -> memref<2000xi32, #tpu.memory_space<hbm>>
      tpu.wait_dma2 semaphore(%run_scoped3A : memref<!tpu.dma_semaphore, #tpu.memory_space<semaphore_mem>>) src(%dma_wait3A_44 : memref<2000xi32, #tpu.memory_space<hbm>>) dst(%arg5 : memref<2000xi32, #tpu.memory_space<vmem>>)
      tpu.yield
    }) : () -> ()
    %dma_start3A_27 = arith.constant 0 : i32
    %dma_start3A_28 = arith.constant 0 : i32
    %dma_start3A_29 = tpu.memref_slice %arg2[%dma_start3A_27, %dma_start3A_28] : memref<10000x16xf32, #tpu.memory_space<hbm>> -> memref<10000x16xf32, #tpu.memory_space<hbm>>
    tpu.enqueue_indirect_dma source(%dma_start3A_29 : memref<10000x16xf32, #tpu.memory_space<hbm>>) target(%arg6 : memref<2000x16xf32, #tpu.memory_space<vmem>>) offsets(%arg5 : memref<2000xi32, #tpu.memory_space<vmem>>) semaphore(%arg7 : memref<!tpu.dma_semaphore, #tpu.memory_space<semaphore_mem>>)
    %dma_wait3A_30 = arith.constant 0 : i32
    %dma_wait3A_31 = arith.constant 0 : i32
    %dma_wait3A_32 = tpu.memref_slice %arg2[%dma_wait3A_30, %dma_wait3A_31] : memref<10000x16xf32, #tpu.memory_space<hbm>> -> memref<10000x16xf32, #tpu.memory_space<hbm>>
    tpu.wait_indirect_dma semaphore(%arg7 : memref<!tpu.dma_semaphore, #tpu.memory_space<semaphore_mem>>) src(%dma_wait3A_32 : memref<10000x16xf32, #tpu.memory_space<hbm>>) dst(%arg6 : memref<2000x16xf32, #tpu.memory_space<vmem>>)
    "tpu.region"() ({
      %run_scoped3A = tpu.sem_alloc : memref<!tpu.dma_semaphore, #tpu.memory_space<semaphore_mem>>
      %dma_start3A_41 = arith.constant 0 : i32
      %dma_start3A_42 = tpu.memref_slice %arg4[%add3A_26, %dma_start3A_41] : memref<320000x16xf32, #tpu.memory_space<hbm>> -> memref<2000x16xf32, #tpu.memory_space<hbm>>
      %dma_start3A_43 = arith.constant 0 : i32
      %dma_start3A_44 = tpu.memref_slice %arg4[%add3A_26, %dma_start3A_43] : memref<320000x16xf32, #tpu.memory_space<hbm>> -> memref<2000x16xf32, #tpu.memory_space<hbm>>
      tpu.enqueue_dma source(%arg6 : memref<2000x16xf32, #tpu.memory_space<vmem>>) target(%dma_start3A_44 : memref<2000x16xf32, #tpu.memory_space<hbm>>) target_semaphore(%run_scoped3A : memref<!tpu.dma_semaphore, #tpu.memory_space<semaphore_mem>>)
      %dma_wait3A_45 = arith.constant 0 : i32
      %dma_wait3A_46 = tpu.memref_slice %arg4[%add3A_26, %dma_wait3A_45] : memref<320000x16xf32, #tpu.memory_space<hbm>> -> memref<2000x16xf32, #tpu.memory_space<hbm>>
      %dma_wait3A_47 = arith.constant 0 : i32
      %dma_wait3A_48 = tpu.memref_slice %arg4[%add3A_26, %dma_wait3A_47] : memref<320000x16xf32, #tpu.memory_space<hbm>> -> memref<2000x16xf32, #tpu.memory_space<hbm>>
      tpu.wait_dma2 semaphore(%run_scoped3A : memref<!tpu.dma_semaphore, #tpu.memory_space<semaphore_mem>>) src(%arg6 : memref<2000x16xf32, #tpu.memory_space<vmem>>) dst(%dma_wait3A_48 : memref<2000x16xf32, #tpu.memory_space<hbm>>)
      tpu.yield
    }) : () -> ()
    %add3A_33 = arith.constant 8000 : i32
    %add3A_34 = arith.addi %mul3A_2, %add3A_33 : i32
    "tpu.region"() ({
      %run_scoped3A = tpu.sem_alloc : memref<!tpu.dma_semaphore, #tpu.memory_space<semaphore_mem>>
      %dma_start3A_41 = tpu.memref_slice %arg3[%add3A_34] : memref<320000xi32, #tpu.memory_space<hbm>> -> memref<2000xi32, #tpu.memory_space<hbm>>
      %dma_start3A_42 = tpu.memref_slice %arg3[%add3A_34] : memref<320000xi32, #tpu.memory_space<hbm>> -> memref<2000xi32, #tpu.memory_space<hbm>>
      tpu.enqueue_dma source(%dma_start3A_42 : memref<2000xi32, #tpu.memory_space<hbm>>) target(%arg5 : memref<2000xi32, #tpu.memory_space<vmem>>) target_semaphore(%run_scoped3A : memref<!tpu.dma_semaphore, #tpu.memory_space<semaphore_mem>>)
      %dma_wait3A_43 = tpu.memref_slice %arg3[%add3A_34] : memref<320000xi32, #tpu.memory_space<hbm>> -> memref<2000xi32, #tpu.memory_space<hbm>>
      %dma_wait3A_44 = tpu.memref_slice %arg3[%add3A_34] : memref<320000xi32, #tpu.memory_space<hbm>> -> memref<2000xi32, #tpu.memory_space<hbm>>
      tpu.wait_dma2 semaphore(%run_scoped3A : memref<!tpu.dma_semaphore, #tpu.memory_space<semaphore_mem>>) src(%dma_wait3A_44 : memref<2000xi32, #tpu.memory_space<hbm>>) dst(%arg5 : memref<2000xi32, #tpu.memory_space<vmem>>)
      tpu.yield
    }) : () -> ()
    %dma_start3A_35 = arith.constant 0 : i32
    %dma_start3A_36 = arith.constant 0 : i32
    %dma_start3A_37 = tpu.memref_slice %arg2[%dma_start3A_35, %dma_start3A_36] : memref<10000x16xf32, #tpu.memory_space<hbm>> -> memref<10000x16xf32, #tpu.memory_space<hbm>>
    tpu.enqueue_indirect_dma source(%dma_start3A_37 : memref<10000x16xf32, #tpu.memory_space<hbm>>) target(%arg6 : memref<2000x16xf32, #tpu.memory_space<vmem>>) offsets(%arg5 : memref<2000xi32, #tpu.memory_space<vmem>>) semaphore(%arg7 : memref<!tpu.dma_semaphore, #tpu.memory_space<semaphore_mem>>)
    %dma_wait3A_38 = arith.constant 0 : i32
    %dma_wait3A_39 = arith.constant 0 : i32
    %dma_wait3A_40 = tpu.memref_slice %arg2[%dma_wait3A_38, %dma_wait3A_39] : memref<10000x16xf32, #tpu.memory_space<hbm>> -> memref<10000x16xf32, #tpu.memory_space<hbm>>
    tpu.wait_indirect_dma semaphore(%arg7 : memref<!tpu.dma_semaphore, #tpu.memory_space<semaphore_mem>>) src(%dma_wait3A_40 : memref<10000x16xf32, #tpu.memory_space<hbm>>) dst(%arg6 : memref<2000x16xf32, #tpu.memory_space<vmem>>)
    "tpu.region"() ({
      %run_scoped3A = tpu.sem_alloc : memref<!tpu.dma_semaphore, #tpu.memory_space<semaphore_mem>>
      %dma_start3A_41 = arith.constant 0 : i32
      %dma_start3A_42 = tpu.memref_slice %arg4[%add3A_34, %dma_start3A_41] : memref<320000x16xf32, #tpu.memory_space<hbm>> -> memref<2000x16xf32, #tpu.memory_space<hbm>>
      %dma_start3A_43 = arith.constant 0 : i32
      %dma_start3A_44 = tpu.memref_slice %arg4[%add3A_34, %dma_start3A_43] : memref<320000x16xf32, #tpu.memory_space<hbm>> -> memref<2000x16xf32, #tpu.memory_space<hbm>>
      tpu.enqueue_dma source(%arg6 : memref<2000x16xf32, #tpu.memory_space<vmem>>) target(%dma_start3A_44 : memref<2000x16xf32, #tpu.memory_space<hbm>>) target_semaphore(%run_scoped3A : memref<!tpu.dma_semaphore, #tpu.memory_space<semaphore_mem>>)
      %dma_wait3A_45 = arith.constant 0 : i32
      %dma_wait3A_46 = tpu.memref_slice %arg4[%add3A_34, %dma_wait3A_45] : memref<320000x16xf32, #tpu.memory_space<hbm>> -> memref<2000x16xf32, #tpu.memory_space<hbm>>
      %dma_wait3A_47 = arith.constant 0 : i32
      %dma_wait3A_48 = tpu.memref_slice %arg4[%add3A_34, %dma_wait3A_47] : memref<320000x16xf32, #tpu.memory_space<hbm>> -> memref<2000x16xf32, #tpu.memory_space<hbm>>
      tpu.wait_dma2 semaphore(%run_scoped3A : memref<!tpu.dma_semaphore, #tpu.memory_space<semaphore_mem>>) src(%arg6 : memref<2000x16xf32, #tpu.memory_space<vmem>>) dst(%dma_wait3A_48 : memref<2000x16xf32, #tpu.memory_space<hbm>>)
      tpu.yield
    }) : () -> ()
    return
  }
}

#map = affine_map<(d0, d1) -> (0, 0)>
#map1 = affine_map<(d0, d1) -> (0)>
#map2 = affine_map<(d0, d1) -> (0, 0, 0)>
module attributes {stable_mosaic.version = 14 : i64} {
  func.func @k(%arg0: i32, %arg1: i32, %arg2: memref<320000x16xf32, #tpu.memory_space<hbm>>, %arg3: memref<320000xi32, #tpu.memory_space<hbm>>, %arg4: memref<2x10000x16xf32, #tpu.memory_space<hbm>>, %arg5: memref<2000xi32, #tpu.memory_space<vmem>>, %arg6: memref<2000x16xf32, #tpu.memory_space<vmem>>, %arg7: memref<10000x16xf32, #tpu.memory_space<vmem_shared>>, %arg8: memref<!tpu.dma_semaphore, #tpu.memory_space<semaphore_mem>>) attributes {dimension_semantics = [#tpu.dimension_semantics<core_parallel>, #tpu.dimension_semantics<subcore_parallel>], iteration_bounds = array<i64: 2, 16>, scalar_prefetch = 0 : i64, scratch_operands = 4 : i64, tpu.core_type = #tpu.core_type<sc_vector_subcore>, window_params = [{transform_indices = #map}, {transform_indices = #map1}, {transform_indices = #map2}]} {
    %mul3A = arith.constant 2 : i32
    %mul3A_0 = arith.muli %arg1, %mul3A : i32
    %add3A = arith.addi %mul3A_0, %arg0 : i32
    %scan3A = arith.constant 0 : i32
    %scan3A_1 = arith.constant 0 : i32
    %scan3A_2 = arith.constant 625 : i32
    %scan3A_3 = arith.addi %scan3A_1, %scan3A_2 : i32
    %scan3A_4 = arith.constant 1 : i32
    %scan3A_5 = scf.for %scan3A_26 = %scan3A_1 to %scan3A_3 step %scan3A_4 iter_args(%scan3A_27 = %scan3A) -> (i32)  : i32 {
      %broadcast_in_dim3A = arith.constant 0.000000e+00 : f32
      %broadcast_in_dim3A_28 = vector.broadcast %broadcast_in_dim3A : f32 to vector<16xf32>
      %swap3A = arith.index_cast %scan3A_26 : i32 to index
      %swap3A_29 = arith.constant 0 : index
      %swap3A_30 = tpu.vector_load %arg6[%swap3A, %swap3A_29] {strides = array<i32>} : memref<2000x16xf32, #tpu.memory_space<vmem>>, vector<1x16xf32>,
      %swap3A_31 = vector.shape_cast %swap3A_30 : vector<1x16xf32> to vector<16xf32>
      %swap3A_32 = vector.shape_cast %broadcast_in_dim3A_28 : vector<16xf32> to vector<1x16xf32>
      tpu.vector_store %arg6[%swap3A, %swap3A_29], %swap3A_32 {strides = array<i32>} : memref<2000x16xf32, #tpu.memory_space<vmem>>, vector<1x16xf32>,
      %scan3A_33 = arith.constant 0 : i32
      scf.yield %scan3A_33 : i32
    }
    %scan3A_6 = arith.constant 625 : i32
    %mul3A_7 = arith.constant 625 : i32
    %mul3A_8 = arith.muli %arg1, %mul3A_7 : i32
    "tpu.region"() ({
      %run_scoped3A = tpu.sem_alloc : memref<!tpu.dma_semaphore, #tpu.memory_space<semaphore_mem>>
      %dma_start3A = arith.constant 0 : i32
      %dma_start3A_26 = arith.constant 0 : i32
      %dma_start3A_27 = tpu.memref_slice %arg6[%dma_start3A, %dma_start3A_26] : memref<2000x16xf32, #tpu.memory_space<vmem>> -> memref<625x16xf32, #tpu.memory_space<vmem>>
      %dma_start3A_28 = arith.constant 0 : i32
      %dma_start3A_29 = tpu.memref_slice %arg7[%mul3A_8, %dma_start3A_28] : memref<10000x16xf32, #tpu.memory_space<vmem_shared>> -> memref<625x16xf32, #tpu.memory_space<vmem_shared>>
      %dma_start3A_30 = arith.constant 0 : i32
      %dma_start3A_31 = tpu.memref_slice %arg7[%mul3A_8, %dma_start3A_30] : memref<10000x16xf32, #tpu.memory_space<vmem_shared>> -> memref<625x16xf32, #tpu.memory_space<vmem_shared>>
      %dma_start3A_32 = arith.constant 0 : i32
      %dma_start3A_33 = arith.constant 0 : i32
      %dma_start3A_34 = tpu.memref_slice %arg6[%dma_start3A_32, %dma_start3A_33] : memref<2000x16xf32, #tpu.memory_space<vmem>> -> memref<625x16xf32, #tpu.memory_space<vmem>>
      tpu.enqueue_dma source(%dma_start3A_34 : memref<625x16xf32, #tpu.memory_space<vmem>>) target(%dma_start3A_31 : memref<625x16xf32, #tpu.memory_space<vmem_shared>>) target_semaphore(%run_scoped3A : memref<!tpu.dma_semaphore, #tpu.memory_space<semaphore_mem>>)
      %dma_wait3A = arith.constant 0 : i32
      %dma_wait3A_35 = arith.constant 0 : i32
      %dma_wait3A_36 = tpu.memref_slice %arg6[%dma_wait3A, %dma_wait3A_35] : memref<2000x16xf32, #tpu.memory_space<vmem>> -> memref<625x16xf32, #tpu.memory_space<vmem>>
      %dma_wait3A_37 = arith.constant 0 : i32
      %dma_wait3A_38 = tpu.memref_slice %arg7[%mul3A_8, %dma_wait3A_37] : memref<10000x16xf32, #tpu.memory_space<vmem_shared>> -> memref<625x16xf32, #tpu.memory_space<vmem_shared>>
      %dma_wait3A_39 = arith.constant 0 : i32
      %dma_wait3A_40 = tpu.memref_slice %arg7[%mul3A_8, %dma_wait3A_39] : memref<10000x16xf32, #tpu.memory_space<vmem_shared>> -> memref<625x16xf32, #tpu.memory_space<vmem_shared>>
      %dma_wait3A_41 = arith.constant 0 : i32
      %dma_wait3A_42 = arith.constant 0 : i32
      %dma_wait3A_43 = tpu.memref_slice %arg6[%dma_wait3A_41, %dma_wait3A_42] : memref<2000x16xf32, #tpu.memory_space<vmem>> -> memref<625x16xf32, #tpu.memory_space<vmem>>
      tpu.wait_dma2 semaphore(%run_scoped3A : memref<!tpu.dma_semaphore, #tpu.memory_space<semaphore_mem>>) src(%dma_wait3A_43 : memref<625x16xf32, #tpu.memory_space<vmem>>) dst(%dma_wait3A_40 : memref<625x16xf32, #tpu.memory_space<vmem_shared>>)
      tpu.yield
    }) : () -> ()
    %barrier3A = arith.constant 0 : index
    tpu.barrier barrier_id(%barrier3A)
    %mul3A_9 = arith.constant 10000 : i32
    %mul3A_10 = arith.muli %add3A, %mul3A_9 : i32
    %add3A_11 = arith.constant 0 : i32
    %add3A_12 = arith.addi %mul3A_10, %add3A_11 : i32
    "tpu.region"() ({
      %run_scoped3A = tpu.sem_alloc : memref<!tpu.dma_semaphore, #tpu.memory_space<semaphore_mem>>
      %dma_start3A = tpu.memref_slice %arg3[%add3A_12] : memref<320000xi32, #tpu.memory_space<hbm>> -> memref<2000xi32, #tpu.memory_space<hbm>>
      %dma_start3A_26 = tpu.memref_slice %arg3[%add3A_12] : memref<320000xi32, #tpu.memory_space<hbm>> -> memref<2000xi32, #tpu.memory_space<hbm>>
      tpu.enqueue_dma source(%dma_start3A_26 : memref<2000xi32, #tpu.memory_space<hbm>>) target(%arg5 : memref<2000xi32, #tpu.memory_space<vmem>>) target_semaphore(%run_scoped3A : memref<!tpu.dma_semaphore, #tpu.memory_space<semaphore_mem>>)
      %dma_wait3A = tpu.memref_slice %arg3[%add3A_12] : memref<320000xi32, #tpu.memory_space<hbm>> -> memref<2000xi32, #tpu.memory_space<hbm>>
      %dma_wait3A_27 = tpu.memref_slice %arg3[%add3A_12] : memref<320000xi32, #tpu.memory_space<hbm>> -> memref<2000xi32, #tpu.memory_space<hbm>>
      tpu.wait_dma2 semaphore(%run_scoped3A : memref<!tpu.dma_semaphore, #tpu.memory_space<semaphore_mem>>) src(%dma_wait3A_27 : memref<2000xi32, #tpu.memory_space<hbm>>) dst(%arg5 : memref<2000xi32, #tpu.memory_space<vmem>>)
      tpu.yield
    }) : () -> ()
    "tpu.region"() ({
      %run_scoped3A = tpu.sem_alloc : memref<!tpu.dma_semaphore, #tpu.memory_space<semaphore_mem>>
      %dma_start3A = arith.constant 0 : i32
      %dma_start3A_26 = tpu.memref_slice %arg2[%add3A_12, %dma_start3A] : memref<320000x16xf32, #tpu.memory_space<hbm>> -> memref<2000x16xf32, #tpu.memory_space<hbm>>
      %dma_start3A_27 = arith.constant 0 : i32
      %dma_start3A_28 = tpu.memref_slice %arg2[%add3A_12, %dma_start3A_27] : memref<320000x16xf32, #tpu.memory_space<hbm>> -> memref<2000x16xf32, #tpu.memory_space<hbm>>
      tpu.enqueue_dma source(%dma_start3A_28 : memref<2000x16xf32, #tpu.memory_space<hbm>>) target(%arg6 : memref<2000x16xf32, #tpu.memory_space<vmem>>) target_semaphore(%run_scoped3A : memref<!tpu.dma_semaphore, #tpu.memory_space<semaphore_mem>>)
      %dma_wait3A = arith.constant 0 : i32
      %dma_wait3A_29 = tpu.memref_slice %arg2[%add3A_12, %dma_wait3A] : memref<320000x16xf32, #tpu.memory_space<hbm>> -> memref<2000x16xf32, #tpu.memory_space<hbm>>
      %dma_wait3A_30 = arith.constant 0 : i32
      %dma_wait3A_31 = tpu.memref_slice %arg2[%add3A_12, %dma_wait3A_30] : memref<320000x16xf32, #tpu.memory_space<hbm>> -> memref<2000x16xf32, #tpu.memory_space<hbm>>
      tpu.wait_dma2 semaphore(%run_scoped3A : memref<!tpu.dma_semaphore, #tpu.memory_space<semaphore_mem>>) src(%dma_wait3A_31 : memref<2000x16xf32, #tpu.memory_space<hbm>>) dst(%arg6 : memref<2000x16xf32, #tpu.memory_space<vmem>>)
      tpu.yield
    }) : () -> ()
    "tpu.region"() ({
      %run_scoped3A = tpu.sem_alloc : memref<!tpu.dma_semaphore, #tpu.memory_space<semaphore_mem>>
      %dma_start3A = arith.constant 0 : i32
      %dma_start3A_26 = arith.constant 0 : i32
      %dma_start3A_27 = tpu.memref_slice %arg7[%dma_start3A, %dma_start3A_26] : memref<10000x16xf32, #tpu.memory_space<vmem_shared>> -> memref<10000x16xf32, #tpu.memory_space<vmem_shared>>
      tpu.enqueue_indirect_dma source(%arg6 : memref<2000x16xf32, #tpu.memory_space<vmem>>) target(%dma_start3A_27 : memref<10000x16xf32, #tpu.memory_space<vmem_shared>>) offsets(%arg5 : memref<2000xi32, #tpu.memory_space<vmem>>) semaphore(%run_scoped3A : memref<!tpu.dma_semaphore, #tpu.memory_space<semaphore_mem>>) {add = true}
      %dma_wait3A = arith.constant 0 : i32
      %dma_wait3A_28 = arith.constant 0 : i32
      %dma_wait3A_29 = tpu.memref_slice %arg7[%dma_wait3A, %dma_wait3A_28] : memref<10000x16xf32, #tpu.memory_space<vmem_shared>> -> memref<10000x16xf32, #tpu.memory_space<vmem_shared>>
      tpu.wait_indirect_dma semaphore(%run_scoped3A : memref<!tpu.dma_semaphore, #tpu.memory_space<semaphore_mem>>) src(%arg6 : memref<2000x16xf32, #tpu.memory_space<vmem>>) dst(%dma_wait3A_29 : memref<10000x16xf32, #tpu.memory_space<vmem_shared>>)
      tpu.yield
    }) : () -> ()
    %add3A_13 = arith.constant 2000 : i32
    %add3A_14 = arith.addi %mul3A_10, %add3A_13 : i32
    "tpu.region"() ({
      %run_scoped3A = tpu.sem_alloc : memref<!tpu.dma_semaphore, #tpu.memory_space<semaphore_mem>>
      %dma_start3A = tpu.memref_slice %arg3[%add3A_14] : memref<320000xi32, #tpu.memory_space<hbm>> -> memref<2000xi32, #tpu.memory_space<hbm>>
      %dma_start3A_26 = tpu.memref_slice %arg3[%add3A_14] : memref<320000xi32, #tpu.memory_space<hbm>> -> memref<2000xi32, #tpu.memory_space<hbm>>
      tpu.enqueue_dma source(%dma_start3A_26 : memref<2000xi32, #tpu.memory_space<hbm>>) target(%arg5 : memref<2000xi32, #tpu.memory_space<vmem>>) target_semaphore(%run_scoped3A : memref<!tpu.dma_semaphore, #tpu.memory_space<semaphore_mem>>)
      %dma_wait3A = tpu.memref_slice %arg3[%add3A_14] : memref<320000xi32, #tpu.memory_space<hbm>> -> memref<2000xi32, #tpu.memory_space<hbm>>
      %dma_wait3A_27 = tpu.memref_slice %arg3[%add3A_14] : memref<320000xi32, #tpu.memory_space<hbm>> -> memref<2000xi32, #tpu.memory_space<hbm>>
      tpu.wait_dma2 semaphore(%run_scoped3A : memref<!tpu.dma_semaphore, #tpu.memory_space<semaphore_mem>>) src(%dma_wait3A_27 : memref<2000xi32, #tpu.memory_space<hbm>>) dst(%arg5 : memref<2000xi32, #tpu.memory_space<vmem>>)
      tpu.yield
    }) : () -> ()
    "tpu.region"() ({
      %run_scoped3A = tpu.sem_alloc : memref<!tpu.dma_semaphore, #tpu.memory_space<semaphore_mem>>
      %dma_start3A = arith.constant 0 : i32
      %dma_start3A_26 = tpu.memref_slice %arg2[%add3A_14, %dma_start3A] : memref<320000x16xf32, #tpu.memory_space<hbm>> -> memref<2000x16xf32, #tpu.memory_space<hbm>>
      %dma_start3A_27 = arith.constant 0 : i32
      %dma_start3A_28 = tpu.memref_slice %arg2[%add3A_14, %dma_start3A_27] : memref<320000x16xf32, #tpu.memory_space<hbm>> -> memref<2000x16xf32, #tpu.memory_space<hbm>>
      tpu.enqueue_dma source(%dma_start3A_28 : memref<2000x16xf32, #tpu.memory_space<hbm>>) target(%arg6 : memref<2000x16xf32, #tpu.memory_space<vmem>>) target_semaphore(%run_scoped3A : memref<!tpu.dma_semaphore, #tpu.memory_space<semaphore_mem>>)
      %dma_wait3A = arith.constant 0 : i32
      %dma_wait3A_29 = tpu.memref_slice %arg2[%add3A_14, %dma_wait3A] : memref<320000x16xf32, #tpu.memory_space<hbm>> -> memref<2000x16xf32, #tpu.memory_space<hbm>>
      %dma_wait3A_30 = arith.constant 0 : i32
      %dma_wait3A_31 = tpu.memref_slice %arg2[%add3A_14, %dma_wait3A_30] : memref<320000x16xf32, #tpu.memory_space<hbm>> -> memref<2000x16xf32, #tpu.memory_space<hbm>>
      tpu.wait_dma2 semaphore(%run_scoped3A : memref<!tpu.dma_semaphore, #tpu.memory_space<semaphore_mem>>) src(%dma_wait3A_31 : memref<2000x16xf32, #tpu.memory_space<hbm>>) dst(%arg6 : memref<2000x16xf32, #tpu.memory_space<vmem>>)
      tpu.yield
    }) : () -> ()
    "tpu.region"() ({
      %run_scoped3A = tpu.sem_alloc : memref<!tpu.dma_semaphore, #tpu.memory_space<semaphore_mem>>
      %dma_start3A = arith.constant 0 : i32
      %dma_start3A_26 = arith.constant 0 : i32
      %dma_start3A_27 = tpu.memref_slice %arg7[%dma_start3A, %dma_start3A_26] : memref<10000x16xf32, #tpu.memory_space<vmem_shared>> -> memref<10000x16xf32, #tpu.memory_space<vmem_shared>>
      tpu.enqueue_indirect_dma source(%arg6 : memref<2000x16xf32, #tpu.memory_space<vmem>>) target(%dma_start3A_27 : memref<10000x16xf32, #tpu.memory_space<vmem_shared>>) offsets(%arg5 : memref<2000xi32, #tpu.memory_space<vmem>>) semaphore(%run_scoped3A : memref<!tpu.dma_semaphore, #tpu.memory_space<semaphore_mem>>) {add = true}
      %dma_wait3A = arith.constant 0 : i32
      %dma_wait3A_28 = arith.constant 0 : i32
      %dma_wait3A_29 = tpu.memref_slice %arg7[%dma_wait3A, %dma_wait3A_28] : memref<10000x16xf32, #tpu.memory_space<vmem_shared>> -> memref<10000x16xf32, #tpu.memory_space<vmem_shared>>
      tpu.wait_indirect_dma semaphore(%run_scoped3A : memref<!tpu.dma_semaphore, #tpu.memory_space<semaphore_mem>>) src(%arg6 : memref<2000x16xf32, #tpu.memory_space<vmem>>) dst(%dma_wait3A_29 : memref<10000x16xf32, #tpu.memory_space<vmem_shared>>)
      tpu.yield
    }) : () -> ()
    %add3A_15 = arith.constant 4000 : i32
    %add3A_16 = arith.addi %mul3A_10, %add3A_15 : i32
    "tpu.region"() ({
      %run_scoped3A = tpu.sem_alloc : memref<!tpu.dma_semaphore, #tpu.memory_space<semaphore_mem>>
      %dma_start3A = tpu.memref_slice %arg3[%add3A_16] : memref<320000xi32, #tpu.memory_space<hbm>> -> memref<2000xi32, #tpu.memory_space<hbm>>
      %dma_start3A_26 = tpu.memref_slice %arg3[%add3A_16] : memref<320000xi32, #tpu.memory_space<hbm>> -> memref<2000xi32, #tpu.memory_space<hbm>>
      tpu.enqueue_dma source(%dma_start3A_26 : memref<2000xi32, #tpu.memory_space<hbm>>) target(%arg5 : memref<2000xi32, #tpu.memory_space<vmem>>) target_semaphore(%run_scoped3A : memref<!tpu.dma_semaphore, #tpu.memory_space<semaphore_mem>>)
      %dma_wait3A = tpu.memref_slice %arg3[%add3A_16] : memref<320000xi32, #tpu.memory_space<hbm>> -> memref<2000xi32, #tpu.memory_space<hbm>>
      %dma_wait3A_27 = tpu.memref_slice %arg3[%add3A_16] : memref<320000xi32, #tpu.memory_space<hbm>> -> memref<2000xi32, #tpu.memory_space<hbm>>
      tpu.wait_dma2 semaphore(%run_scoped3A : memref<!tpu.dma_semaphore, #tpu.memory_space<semaphore_mem>>) src(%dma_wait3A_27 : memref<2000xi32, #tpu.memory_space<hbm>>) dst(%arg5 : memref<2000xi32, #tpu.memory_space<vmem>>)
      tpu.yield
    }) : () -> ()
    "tpu.region"() ({
      %run_scoped3A = tpu.sem_alloc : memref<!tpu.dma_semaphore, #tpu.memory_space<semaphore_mem>>
      %dma_start3A = arith.constant 0 : i32
      %dma_start3A_26 = tpu.memref_slice %arg2[%add3A_16, %dma_start3A] : memref<320000x16xf32, #tpu.memory_space<hbm>> -> memref<2000x16xf32, #tpu.memory_space<hbm>>
      %dma_start3A_27 = arith.constant 0 : i32
      %dma_start3A_28 = tpu.memref_slice %arg2[%add3A_16, %dma_start3A_27] : memref<320000x16xf32, #tpu.memory_space<hbm>> -> memref<2000x16xf32, #tpu.memory_space<hbm>>
      tpu.enqueue_dma source(%dma_start3A_28 : memref<2000x16xf32, #tpu.memory_space<hbm>>) target(%arg6 : memref<2000x16xf32, #tpu.memory_space<vmem>>) target_semaphore(%run_scoped3A : memref<!tpu.dma_semaphore, #tpu.memory_space<semaphore_mem>>)
      %dma_wait3A = arith.constant 0 : i32
      %dma_wait3A_29 = tpu.memref_slice %arg2[%add3A_16, %dma_wait3A] : memref<320000x16xf32, #tpu.memory_space<hbm>> -> memref<2000x16xf32, #tpu.memory_space<hbm>>
      %dma_wait3A_30 = arith.constant 0 : i32
      %dma_wait3A_31 = tpu.memref_slice %arg2[%add3A_16, %dma_wait3A_30] : memref<320000x16xf32, #tpu.memory_space<hbm>> -> memref<2000x16xf32, #tpu.memory_space<hbm>>
      tpu.wait_dma2 semaphore(%run_scoped3A : memref<!tpu.dma_semaphore, #tpu.memory_space<semaphore_mem>>) src(%dma_wait3A_31 : memref<2000x16xf32, #tpu.memory_space<hbm>>) dst(%arg6 : memref<2000x16xf32, #tpu.memory_space<vmem>>)
      tpu.yield
    }) : () -> ()
    "tpu.region"() ({
      %run_scoped3A = tpu.sem_alloc : memref<!tpu.dma_semaphore, #tpu.memory_space<semaphore_mem>>
      %dma_start3A = arith.constant 0 : i32
      %dma_start3A_26 = arith.constant 0 : i32
      %dma_start3A_27 = tpu.memref_slice %arg7[%dma_start3A, %dma_start3A_26] : memref<10000x16xf32, #tpu.memory_space<vmem_shared>> -> memref<10000x16xf32, #tpu.memory_space<vmem_shared>>
      tpu.enqueue_indirect_dma source(%arg6 : memref<2000x16xf32, #tpu.memory_space<vmem>>) target(%dma_start3A_27 : memref<10000x16xf32, #tpu.memory_space<vmem_shared>>) offsets(%arg5 : memref<2000xi32, #tpu.memory_space<vmem>>) semaphore(%run_scoped3A : memref<!tpu.dma_semaphore, #tpu.memory_space<semaphore_mem>>) {add = true}
      %dma_wait3A = arith.constant 0 : i32
      %dma_wait3A_28 = arith.constant 0 : i32
      %dma_wait3A_29 = tpu.memref_slice %arg7[%dma_wait3A, %dma_wait3A_28] : memref<10000x16xf32, #tpu.memory_space<vmem_shared>> -> memref<10000x16xf32, #tpu.memory_space<vmem_shared>>
      tpu.wait_indirect_dma semaphore(%run_scoped3A : memref<!tpu.dma_semaphore, #tpu.memory_space<semaphore_mem>>) src(%arg6 : memref<2000x16xf32, #tpu.memory_space<vmem>>) dst(%dma_wait3A_29 : memref<10000x16xf32, #tpu.memory_space<vmem_shared>>)
      tpu.yield
    }) : () -> ()
    %add3A_17 = arith.constant 6000 : i32
    %add3A_18 = arith.addi %mul3A_10, %add3A_17 : i32
    "tpu.region"() ({
      %run_scoped3A = tpu.sem_alloc : memref<!tpu.dma_semaphore, #tpu.memory_space<semaphore_mem>>
      %dma_start3A = tpu.memref_slice %arg3[%add3A_18] : memref<320000xi32, #tpu.memory_space<hbm>> -> memref<2000xi32, #tpu.memory_space<hbm>>
      %dma_start3A_26 = tpu.memref_slice %arg3[%add3A_18] : memref<320000xi32, #tpu.memory_space<hbm>> -> memref<2000xi32, #tpu.memory_space<hbm>>
      tpu.enqueue_dma source(%dma_start3A_26 : memref<2000xi32, #tpu.memory_space<hbm>>) target(%arg5 : memref<2000xi32, #tpu.memory_space<vmem>>) target_semaphore(%run_scoped3A : memref<!tpu.dma_semaphore, #tpu.memory_space<semaphore_mem>>)
      %dma_wait3A = tpu.memref_slice %arg3[%add3A_18] : memref<320000xi32, #tpu.memory_space<hbm>> -> memref<2000xi32, #tpu.memory_space<hbm>>
      %dma_wait3A_27 = tpu.memref_slice %arg3[%add3A_18] : memref<320000xi32, #tpu.memory_space<hbm>> -> memref<2000xi32, #tpu.memory_space<hbm>>
      tpu.wait_dma2 semaphore(%run_scoped3A : memref<!tpu.dma_semaphore, #tpu.memory_space<semaphore_mem>>) src(%dma_wait3A_27 : memref<2000xi32, #tpu.memory_space<hbm>>) dst(%arg5 : memref<2000xi32, #tpu.memory_space<vmem>>)
      tpu.yield
    }) : () -> ()
    "tpu.region"() ({
      %run_scoped3A = tpu.sem_alloc : memref<!tpu.dma_semaphore, #tpu.memory_space<semaphore_mem>>
      %dma_start3A = arith.constant 0 : i32
      %dma_start3A_26 = tpu.memref_slice %arg2[%add3A_18, %dma_start3A] : memref<320000x16xf32, #tpu.memory_space<hbm>> -> memref<2000x16xf32, #tpu.memory_space<hbm>>
      %dma_start3A_27 = arith.constant 0 : i32
      %dma_start3A_28 = tpu.memref_slice %arg2[%add3A_18, %dma_start3A_27] : memref<320000x16xf32, #tpu.memory_space<hbm>> -> memref<2000x16xf32, #tpu.memory_space<hbm>>
      tpu.enqueue_dma source(%dma_start3A_28 : memref<2000x16xf32, #tpu.memory_space<hbm>>) target(%arg6 : memref<2000x16xf32, #tpu.memory_space<vmem>>) target_semaphore(%run_scoped3A : memref<!tpu.dma_semaphore, #tpu.memory_space<semaphore_mem>>)
      %dma_wait3A = arith.constant 0 : i32
      %dma_wait3A_29 = tpu.memref_slice %arg2[%add3A_18, %dma_wait3A] : memref<320000x16xf32, #tpu.memory_space<hbm>> -> memref<2000x16xf32, #tpu.memory_space<hbm>>
      %dma_wait3A_30 = arith.constant 0 : i32
      %dma_wait3A_31 = tpu.memref_slice %arg2[%add3A_18, %dma_wait3A_30] : memref<320000x16xf32, #tpu.memory_space<hbm>> -> memref<2000x16xf32, #tpu.memory_space<hbm>>
      tpu.wait_dma2 semaphore(%run_scoped3A : memref<!tpu.dma_semaphore, #tpu.memory_space<semaphore_mem>>) src(%dma_wait3A_31 : memref<2000x16xf32, #tpu.memory_space<hbm>>) dst(%arg6 : memref<2000x16xf32, #tpu.memory_space<vmem>>)
      tpu.yield
    }) : () -> ()
    "tpu.region"() ({
      %run_scoped3A = tpu.sem_alloc : memref<!tpu.dma_semaphore, #tpu.memory_space<semaphore_mem>>
      %dma_start3A = arith.constant 0 : i32
      %dma_start3A_26 = arith.constant 0 : i32
      %dma_start3A_27 = tpu.memref_slice %arg7[%dma_start3A, %dma_start3A_26] : memref<10000x16xf32, #tpu.memory_space<vmem_shared>> -> memref<10000x16xf32, #tpu.memory_space<vmem_shared>>
      tpu.enqueue_indirect_dma source(%arg6 : memref<2000x16xf32, #tpu.memory_space<vmem>>) target(%dma_start3A_27 : memref<10000x16xf32, #tpu.memory_space<vmem_shared>>) offsets(%arg5 : memref<2000xi32, #tpu.memory_space<vmem>>) semaphore(%run_scoped3A : memref<!tpu.dma_semaphore, #tpu.memory_space<semaphore_mem>>) {add = true}
      %dma_wait3A = arith.constant 0 : i32
      %dma_wait3A_28 = arith.constant 0 : i32
      %dma_wait3A_29 = tpu.memref_slice %arg7[%dma_wait3A, %dma_wait3A_28] : memref<10000x16xf32, #tpu.memory_space<vmem_shared>> -> memref<10000x16xf32, #tpu.memory_space<vmem_shared>>
      tpu.wait_indirect_dma semaphore(%run_scoped3A : memref<!tpu.dma_semaphore, #tpu.memory_space<semaphore_mem>>) src(%arg6 : memref<2000x16xf32, #tpu.memory_space<vmem>>) dst(%dma_wait3A_29 : memref<10000x16xf32, #tpu.memory_space<vmem_shared>>)
      tpu.yield
    }) : () -> ()
    %add3A_19 = arith.constant 8000 : i32
    %add3A_20 = arith.addi %mul3A_10, %add3A_19 : i32
    "tpu.region"() ({
      %run_scoped3A = tpu.sem_alloc : memref<!tpu.dma_semaphore, #tpu.memory_space<semaphore_mem>>
      %dma_start3A = tpu.memref_slice %arg3[%add3A_20] : memref<320000xi32, #tpu.memory_space<hbm>> -> memref<2000xi32, #tpu.memory_space<hbm>>
      %dma_start3A_26 = tpu.memref_slice %arg3[%add3A_20] : memref<320000xi32, #tpu.memory_space<hbm>> -> memref<2000xi32, #tpu.memory_space<hbm>>
      tpu.enqueue_dma source(%dma_start3A_26 : memref<2000xi32, #tpu.memory_space<hbm>>) target(%arg5 : memref<2000xi32, #tpu.memory_space<vmem>>) target_semaphore(%run_scoped3A : memref<!tpu.dma_semaphore, #tpu.memory_space<semaphore_mem>>)
      %dma_wait3A = tpu.memref_slice %arg3[%add3A_20] : memref<320000xi32, #tpu.memory_space<hbm>> -> memref<2000xi32, #tpu.memory_space<hbm>>
      %dma_wait3A_27 = tpu.memref_slice %arg3[%add3A_20] : memref<320000xi32, #tpu.memory_space<hbm>> -> memref<2000xi32, #tpu.memory_space<hbm>>
      tpu.wait_dma2 semaphore(%run_scoped3A : memref<!tpu.dma_semaphore, #tpu.memory_space<semaphore_mem>>) src(%dma_wait3A_27 : memref<2000xi32, #tpu.memory_space<hbm>>) dst(%arg5 : memref<2000xi32, #tpu.memory_space<vmem>>)
      tpu.yield
    }) : () -> ()
    "tpu.region"() ({
      %run_scoped3A = tpu.sem_alloc : memref<!tpu.dma_semaphore, #tpu.memory_space<semaphore_mem>>
      %dma_start3A = arith.constant 0 : i32
      %dma_start3A_26 = tpu.memref_slice %arg2[%add3A_20, %dma_start3A] : memref<320000x16xf32, #tpu.memory_space<hbm>> -> memref<2000x16xf32, #tpu.memory_space<hbm>>
      %dma_start3A_27 = arith.constant 0 : i32
      %dma_start3A_28 = tpu.memref_slice %arg2[%add3A_20, %dma_start3A_27] : memref<320000x16xf32, #tpu.memory_space<hbm>> -> memref<2000x16xf32, #tpu.memory_space<hbm>>
      tpu.enqueue_dma source(%dma_start3A_28 : memref<2000x16xf32, #tpu.memory_space<hbm>>) target(%arg6 : memref<2000x16xf32, #tpu.memory_space<vmem>>) target_semaphore(%run_scoped3A : memref<!tpu.dma_semaphore, #tpu.memory_space<semaphore_mem>>)
      %dma_wait3A = arith.constant 0 : i32
      %dma_wait3A_29 = tpu.memref_slice %arg2[%add3A_20, %dma_wait3A] : memref<320000x16xf32, #tpu.memory_space<hbm>> -> memref<2000x16xf32, #tpu.memory_space<hbm>>
      %dma_wait3A_30 = arith.constant 0 : i32
      %dma_wait3A_31 = tpu.memref_slice %arg2[%add3A_20, %dma_wait3A_30] : memref<320000x16xf32, #tpu.memory_space<hbm>> -> memref<2000x16xf32, #tpu.memory_space<hbm>>
      tpu.wait_dma2 semaphore(%run_scoped3A : memref<!tpu.dma_semaphore, #tpu.memory_space<semaphore_mem>>) src(%dma_wait3A_31 : memref<2000x16xf32, #tpu.memory_space<hbm>>) dst(%arg6 : memref<2000x16xf32, #tpu.memory_space<vmem>>)
      tpu.yield
    }) : () -> ()
    "tpu.region"() ({
      %run_scoped3A = tpu.sem_alloc : memref<!tpu.dma_semaphore, #tpu.memory_space<semaphore_mem>>
      %dma_start3A = arith.constant 0 : i32
      %dma_start3A_26 = arith.constant 0 : i32
      %dma_start3A_27 = tpu.memref_slice %arg7[%dma_start3A, %dma_start3A_26] : memref<10000x16xf32, #tpu.memory_space<vmem_shared>> -> memref<10000x16xf32, #tpu.memory_space<vmem_shared>>
      tpu.enqueue_indirect_dma source(%arg6 : memref<2000x16xf32, #tpu.memory_space<vmem>>) target(%dma_start3A_27 : memref<10000x16xf32, #tpu.memory_space<vmem_shared>>) offsets(%arg5 : memref<2000xi32, #tpu.memory_space<vmem>>) semaphore(%run_scoped3A : memref<!tpu.dma_semaphore, #tpu.memory_space<semaphore_mem>>) {add = true}
      %dma_wait3A = arith.constant 0 : i32
      %dma_wait3A_28 = arith.constant 0 : i32
      %dma_wait3A_29 = tpu.memref_slice %arg7[%dma_wait3A, %dma_wait3A_28] : memref<10000x16xf32, #tpu.memory_space<vmem_shared>> -> memref<10000x16xf32, #tpu.memory_space<vmem_shared>>
      tpu.wait_indirect_dma semaphore(%run_scoped3A : memref<!tpu.dma_semaphore, #tpu.memory_space<semaphore_mem>>) src(%arg6 : memref<2000x16xf32, #tpu.memory_space<vmem>>) dst(%dma_wait3A_29 : memref<10000x16xf32, #tpu.memory_space<vmem_shared>>)
      tpu.yield
    }) : () -> ()
    %barrier3A_21 = arith.constant 0 : index
    tpu.barrier barrier_id(%barrier3A_21)
    %mul3A_22 = arith.constant 625 : i32
    %mul3A_23 = arith.muli %arg1, %mul3A_22 : i32
    "tpu.region"() ({
      %run_scoped3A = tpu.sem_alloc : memref<!tpu.dma_semaphore, #tpu.memory_space<semaphore_mem>>
      %dma_start3A = arith.constant 0 : i32
      %dma_start3A_26 = arith.constant 0 : i32
      %dma_start3A_27 = tpu.memref_slice %arg6[%dma_start3A, %dma_start3A_26] : memref<2000x16xf32, #tpu.memory_space<vmem>> -> memref<625x16xf32, #tpu.memory_space<vmem>>
      %dma_start3A_28 = arith.constant 0 : i32
      %dma_start3A_29 = tpu.memref_slice %arg7[%mul3A_23, %dma_start3A_28] : memref<10000x16xf32, #tpu.memory_space<vmem_shared>> -> memref<625x16xf32, #tpu.memory_space<vmem_shared>>
      %dma_start3A_30 = arith.constant 0 : i32
      %dma_start3A_31 = arith.constant 0 : i32
      %dma_start3A_32 = tpu.memref_slice %arg6[%dma_start3A_30, %dma_start3A_31] : memref<2000x16xf32, #tpu.memory_space<vmem>> -> memref<625x16xf32, #tpu.memory_space<vmem>>
      %dma_start3A_33 = arith.constant 0 : i32
      %dma_start3A_34 = tpu.memref_slice %arg7[%mul3A_23, %dma_start3A_33] : memref<10000x16xf32, #tpu.memory_space<vmem_shared>> -> memref<625x16xf32, #tpu.memory_space<vmem_shared>>
      tpu.enqueue_dma source(%dma_start3A_34 : memref<625x16xf32, #tpu.memory_space<vmem_shared>>) target(%dma_start3A_32 : memref<625x16xf32, #tpu.memory_space<vmem>>) target_semaphore(%run_scoped3A : memref<!tpu.dma_semaphore, #tpu.memory_space<semaphore_mem>>)
      %dma_wait3A = arith.constant 0 : i32
      %dma_wait3A_35 = arith.constant 0 : i32
      %dma_wait3A_36 = tpu.memref_slice %arg6[%dma_wait3A, %dma_wait3A_35] : memref<2000x16xf32, #tpu.memory_space<vmem>> -> memref<625x16xf32, #tpu.memory_space<vmem>>
      %dma_wait3A_37 = arith.constant 0 : i32
      %dma_wait3A_38 = tpu.memref_slice %arg7[%mul3A_23, %dma_wait3A_37] : memref<10000x16xf32, #tpu.memory_space<vmem_shared>> -> memref<625x16xf32, #tpu.memory_space<vmem_shared>>
      %dma_wait3A_39 = arith.constant 0 : i32
      %dma_wait3A_40 = arith.constant 0 : i32
      %dma_wait3A_41 = tpu.memref_slice %arg6[%dma_wait3A_39, %dma_wait3A_40] : memref<2000x16xf32, #tpu.memory_space<vmem>> -> memref<625x16xf32, #tpu.memory_space<vmem>>
      %dma_wait3A_42 = arith.constant 0 : i32
      %dma_wait3A_43 = tpu.memref_slice %arg7[%mul3A_23, %dma_wait3A_42] : memref<10000x16xf32, #tpu.memory_space<vmem_shared>> -> memref<625x16xf32, #tpu.memory_space<vmem_shared>>
      tpu.wait_dma2 semaphore(%run_scoped3A : memref<!tpu.dma_semaphore, #tpu.memory_space<semaphore_mem>>) src(%dma_wait3A_43 : memref<625x16xf32, #tpu.memory_space<vmem_shared>>) dst(%dma_wait3A_41 : memref<625x16xf32, #tpu.memory_space<vmem>>)
      tpu.yield
    }) : () -> ()
    %mul3A_24 = arith.constant 625 : i32
    %mul3A_25 = arith.muli %arg1, %mul3A_24 : i32
    "tpu.region"() ({
      %run_scoped3A = tpu.sem_alloc : memref<!tpu.dma_semaphore, #tpu.memory_space<semaphore_mem>>
      %dma_start3A = arith.constant 0 : i32
      %dma_start3A_26 = arith.constant 0 : i32
      %dma_start3A_27 = tpu.memref_slice %arg6[%dma_start3A, %dma_start3A_26] : memref<2000x16xf32, #tpu.memory_space<vmem>> -> memref<625x16xf32, #tpu.memory_space<vmem>>
      %dma_start3A_28 = arith.constant 0 : i32
      %dma_start3A_29 = tpu.memref_slice %arg4[%arg0, %mul3A_25, %dma_start3A_28] : memref<2x10000x16xf32, #tpu.memory_space<hbm>> -> memref<1x625x16xf32, #tpu.memory_space<hbm>>
      %dma_start3A_30 = tpu.memref_squeeze %dma_start3A_29 : memref<1x625x16xf32, #tpu.memory_space<hbm>> -> memref<625x16xf32, #tpu.memory_space<hbm>>
      %dma_start3A_31 = arith.constant 0 : i32
      %dma_start3A_32 = tpu.memref_slice %arg4[%arg0, %mul3A_25, %dma_start3A_31] : memref<2x10000x16xf32, #tpu.memory_space<hbm>> -> memref<1x625x16xf32, #tpu.memory_space<hbm>>
      %dma_start3A_33 = tpu.memref_squeeze %dma_start3A_32 : memref<1x625x16xf32, #tpu.memory_space<hbm>> -> memref<625x16xf32, #tpu.memory_space<hbm>>
      %dma_start3A_34 = arith.constant 0 : i32
      %dma_start3A_35 = arith.constant 0 : i32
      %dma_start3A_36 = tpu.memref_slice %arg6[%dma_start3A_34, %dma_start3A_35] : memref<2000x16xf32, #tpu.memory_space<vmem>> -> memref<625x16xf32, #tpu.memory_space<vmem>>
      tpu.enqueue_dma source(%dma_start3A_36 : memref<625x16xf32, #tpu.memory_space<vmem>>) target(%dma_start3A_33 : memref<625x16xf32, #tpu.memory_space<hbm>>) target_semaphore(%run_scoped3A : memref<!tpu.dma_semaphore, #tpu.memory_space<semaphore_mem>>)
      %dma_wait3A = arith.constant 0 : i32
      %dma_wait3A_37 = arith.constant 0 : i32
      %dma_wait3A_38 = tpu.memref_slice %arg6[%dma_wait3A, %dma_wait3A_37] : memref<2000x16xf32, #tpu.memory_space<vmem>> -> memref<625x16xf32, #tpu.memory_space<vmem>>
      %dma_wait3A_39 = arith.constant 0 : i32
      %dma_wait3A_40 = tpu.memref_slice %arg4[%arg0, %mul3A_25, %dma_wait3A_39] : memref<2x10000x16xf32, #tpu.memory_space<hbm>> -> memref<1x625x16xf32, #tpu.memory_space<hbm>>
      %dma_wait3A_41 = tpu.memref_squeeze %dma_wait3A_40 : memref<1x625x16xf32, #tpu.memory_space<hbm>> -> memref<625x16xf32, #tpu.memory_space<hbm>>
      %dma_wait3A_42 = arith.constant 0 : i32
      %dma_wait3A_43 = tpu.memref_slice %arg4[%arg0, %mul3A_25, %dma_wait3A_42] : memref<2x10000x16xf32, #tpu.memory_space<hbm>> -> memref<1x625x16xf32, #tpu.memory_space<hbm>>
      %dma_wait3A_44 = tpu.memref_squeeze %dma_wait3A_43 : memref<1x625x16xf32, #tpu.memory_space<hbm>> -> memref<625x16xf32, #tpu.memory_space<hbm>>
      %dma_wait3A_45 = arith.constant 0 : i32
      %dma_wait3A_46 = arith.constant 0 : i32
      %dma_wait3A_47 = tpu.memref_slice %arg6[%dma_wait3A_45, %dma_wait3A_46] : memref<2000x16xf32, #tpu.memory_space<vmem>> -> memref<625x16xf32, #tpu.memory_space<vmem>>
      tpu.wait_dma2 semaphore(%run_scoped3A : memref<!tpu.dma_semaphore, #tpu.memory_space<semaphore_mem>>) src(%dma_wait3A_47 : memref<625x16xf32, #tpu.memory_space<vmem>>) dst(%dma_wait3A_44 : memref<625x16xf32, #tpu.memory_space<hbm>>)
      tpu.yield
    }) : () -> ()
    return
  }
}

module attributes {stable_mosaic.version = 14 : i64} {
  func.func @_msg_body(%arg0: i32, %arg1: memref<2000x128xf32, #tpu.memory_space<vmem>>, %arg2: memref<2000x128xf32, #tpu.memory_space<vmem>>, %arg3: memref<128x2048xbf16, #tpu.memory_space<vmem>>, %arg4: memref<128x2048xbf16, #tpu.memory_space<vmem>>, %arg5: memref<2048x128xbf16, #tpu.memory_space<vmem>>, %arg6: memref<128x128xbf16, #tpu.memory_space<vmem>>, %arg7: memref<2000x128xf32, #tpu.memory_space<vmem>>) attributes {dimension_semantics = [#tpu.dimension_semantics<arbitrary>], iteration_bounds = array<i64: 20>, scalar_prefetch = 0 : i64, scratch_operands = 0 : i64, tpu.core_type = #tpu.core_type<tc>, window_params = [{transform_indices = @transform_0, window_bounds = array<i64: 2000, 128>}, {transform_indices = @transform_1, window_bounds = array<i64: 2000, 128>}, {pipeline_mode = #tpu.pipeline_mode<synchronous>, transform_indices = @transform_2, window_bounds = array<i64: 128, 2048>}, {pipeline_mode = #tpu.pipeline_mode<synchronous>, transform_indices = @transform_3, window_bounds = array<i64: 128, 2048>}, {pipeline_mode = #tpu.pipeline_mode<synchronous>, transform_indices = @transform_4, window_bounds = array<i64: 2048, 128>}, {pipeline_mode = #tpu.pipeline_mode<synchronous>, transform_indices = @transform_5, window_bounds = array<i64: 128, 128>}, {transform_indices = @transform_6, window_bounds = array<i64: 2000, 128>}]} {
    %get3A = arith.constant 0 : index
    %get3A_0 = arith.constant 0 : index
    %get3A_1 = vector.load %arg1[%get3A, %get3A_0] : memref<2000x128xf32, #tpu.memory_space<vmem>>, vector<2000x128xf32>
    %convert_element_type3A = arith.truncf %get3A_1 : vector<2000x128xf32> to vector<2000x128xbf16>
    %get3A_2 = arith.constant 0 : index
    %get3A_3 = arith.constant 0 : index
    %get3A_4 = vector.load %arg2[%get3A_2, %get3A_3] : memref<2000x128xf32, #tpu.memory_space<vmem>>, vector<2000x128xf32>
    %convert_element_type3A_5 = arith.truncf %get3A_4 : vector<2000x128xf32> to vector<2000x128xbf16>
    %get3A_6 = arith.constant 0 : index
    %get3A_7 = arith.constant 0 : index
    %get3A_8 = vector.load %arg3[%get3A_6, %get3A_7] : memref<128x2048xbf16, #tpu.memory_space<vmem>>, vector<128x2048xbf16>
    %dot_general3A = arith.constant dense<0.000000e+00> : vector<2000x2048xf32>
    %dot_general3A_9 = tpu.matmul %convert_element_type3A, %get3A_8, %dot_general3A {dimension_numbers = #tpu.dot_dimension_numbers<[1], [0], [0], [1], [0, 0, 1, 1], [], []>, transpose_lhs_hint = false} : vector<2000x128xbf16>, vector<128x2048xbf16>, vector<2000x2048xf32> -> vector<2000x2048xf32>
    %get3A_10 = arith.constant 0 : index
    %get3A_11 = arith.constant 0 : index
    %get3A_12 = vector.load %arg4[%get3A_10, %get3A_11] : memref<128x2048xbf16, #tpu.memory_space<vmem>>, vector<128x2048xbf16>
    %dot_general3A_13 = arith.constant dense<0.000000e+00> : vector<2000x2048xf32>
    %dot_general3A_14 = tpu.matmul %convert_element_type3A_5, %get3A_12, %dot_general3A_13 {dimension_numbers = #tpu.dot_dimension_numbers<[1], [0], [0], [1], [0, 0, 1, 1], [], []>, transpose_lhs_hint = false} : vector<2000x128xbf16>, vector<128x2048xbf16>, vector<2000x2048xf32> -> vector<2000x2048xf32>
    %mul3A = arith.mulf %dot_general3A_9, %dot_general3A_14 : vector<2000x2048xf32>
    %convert_element_type3A_15 = arith.truncf %mul3A : vector<2000x2048xf32> to vector<2000x2048xbf16>
    %get3A_16 = arith.constant 0 : index
    %get3A_17 = arith.constant 0 : index
    %get3A_18 = vector.load %arg5[%get3A_16, %get3A_17] : memref<2048x128xbf16, #tpu.memory_space<vmem>>, vector<2048x128xbf16>
    %dot_general3A_19 = arith.constant dense<0.000000e+00> : vector<2000x128xf32>
    %dot_general3A_20 = tpu.matmul %convert_element_type3A_15, %get3A_18, %dot_general3A_19 {dimension_numbers = #tpu.dot_dimension_numbers<[1], [0], [0], [1], [0, 0, 1, 1], [], []>, transpose_lhs_hint = false} : vector<2000x2048xbf16>, vector<2048x128xbf16>, vector<2000x128xf32> -> vector<2000x128xf32>
    %get3A_21 = arith.constant 0 : index
    %get3A_22 = arith.constant 0 : index
    %get3A_23 = vector.load %arg6[%get3A_21, %get3A_22] : memref<128x128xbf16, #tpu.memory_space<vmem>>, vector<128x128xbf16>
    %dot_general3A_24 = arith.constant dense<0.000000e+00> : vector<2000x128xf32>
    %dot_general3A_25 = tpu.matmul %convert_element_type3A_5, %get3A_23, %dot_general3A_24 {dimension_numbers = #tpu.dot_dimension_numbers<[1], [0], [0], [1], [0, 0, 1, 1], [], []>, transpose_lhs_hint = false} : vector<2000x128xbf16>, vector<128x128xbf16>, vector<2000x128xf32> -> vector<2000x128xf32>
    %add3A = arith.addf %dot_general3A_20, %dot_general3A_25 : vector<2000x128xf32>
    %swap3A = arith.constant 0 : index
    %swap3A_26 = arith.constant 0 : index
    %swap3A_27 = vector.load %arg7[%swap3A, %swap3A_26] : memref<2000x128xf32, #tpu.memory_space<vmem>>, vector<2000x128xf32>
    tpu.vector_store %arg7[%swap3A, %swap3A_26], %add3A {strides = array<i32>} : memref<2000x128xf32, #tpu.memory_space<vmem>>, vector<2000x128xf32>,
    return
  }
  func.func @transform_0(%arg0: i32) -> (i32, i32) {
    %c0_i32 = arith.constant 0 : i32
    %c0_i32_0 = arith.constant 0 : i32
    return %arg0, %c0_i32 : i32, i32
  }
  func.func @transform_1(%arg0: i32) -> (i32, i32) {
    %c0_i32 = arith.constant 0 : i32
    %c0_i32_0 = arith.constant 0 : i32
    return %arg0, %c0_i32 : i32, i32
  }
  func.func @transform_2(%arg0: i32) -> (i32, i32) {
    %c0_i32 = arith.constant 0 : i32
    %c0_i32_0 = arith.constant 0 : i32
    %c0_i32_1 = arith.constant 0 : i32
    return %c0_i32, %c0_i32_0 : i32, i32
  }
  func.func @transform_3(%arg0: i32) -> (i32, i32) {
    %c0_i32 = arith.constant 0 : i32
    %c0_i32_0 = arith.constant 0 : i32
    %c0_i32_1 = arith.constant 0 : i32
    return %c0_i32, %c0_i32_0 : i32, i32
  }
  func.func @transform_4(%arg0: i32) -> (i32, i32) {
    %c0_i32 = arith.constant 0 : i32
    %c0_i32_0 = arith.constant 0 : i32
    %c0_i32_1 = arith.constant 0 : i32
    return %c0_i32, %c0_i32_0 : i32, i32
  }
  func.func @transform_5(%arg0: i32) -> (i32, i32) {
    %c0_i32 = arith.constant 0 : i32
    %c0_i32_0 = arith.constant 0 : i32
    %c0_i32_1 = arith.constant 0 : i32
    return %c0_i32, %c0_i32_0 : i32, i32
  }
  func.func @transform_6(%arg0: i32) -> (i32, i32) {
    %c0_i32 = arith.constant 0 : i32
    %c0_i32_0 = arith.constant 0 : i32
    return %arg0, %c0_i32 : i32, i32
  }
}

module attributes {stable_mosaic.version = 14 : i64} {
  func.func @_ln_body(%arg0: i32, %arg1: memref<2000x16xf32, #tpu.memory_space<vmem>>, %arg2: memref<2x2000x16xf32, #tpu.memory_space<vmem>>, %arg3: memref<1x16xf32, #tpu.memory_space<vmem>>, %arg4: memref<1x16xf32, #tpu.memory_space<vmem>>, %arg5: memref<2000x16xf32, #tpu.memory_space<vmem>>) attributes {dimension_semantics = [#tpu.dimension_semantics<arbitrary>], iteration_bounds = array<i64: 5>, scalar_prefetch = 0 : i64, scratch_operands = 0 : i64, tpu.core_type = #tpu.core_type<tc>, window_params = [{transform_indices = @transform_0, window_bounds = array<i64: 2000, 16>}, {transform_indices = @transform_1, window_bounds = array<i64: 2, 2000, 16>}, {pipeline_mode = #tpu.pipeline_mode<synchronous>, transform_indices = @transform_2, window_bounds = array<i64: 1, 16>}, {pipeline_mode = #tpu.pipeline_mode<synchronous>, transform_indices = @transform_3, window_bounds = array<i64: 1, 16>}, {transform_indices = @transform_4, window_bounds = array<i64: 2000, 16>}]} {
    %get3A = arith.constant 0 : index
    %get3A_0 = arith.constant 0 : index
    %get3A_1 = vector.load %arg1[%get3A, %get3A_0] : memref<2000x16xf32, #tpu.memory_space<vmem>>, vector<2000x16xf32>
    %get3A_2 = arith.constant 0 : index
    %get3A_3 = arith.constant 0 : index
    %get3A_4 = arith.constant 0 : index
    %get3A_5 = vector.load %arg2[%get3A_2, %get3A_3, %get3A_4] : memref<2x2000x16xf32, #tpu.memory_space<vmem>>, vector<1x2000x16xf32>
    %get3A_6 = vector.shape_cast %get3A_5 : vector<1x2000x16xf32> to vector<2000x16xf32>
    %add3A = arith.addf %get3A_1, %get3A_6 : vector<2000x16xf32>
    %get3A_7 = arith.constant 1 : index
    %get3A_8 = arith.constant 0 : index
    %get3A_9 = arith.constant 0 : index
    %get3A_10 = vector.load %arg2[%get3A_7, %get3A_8, %get3A_9] : memref<2x2000x16xf32, #tpu.memory_space<vmem>>, vector<1x2000x16xf32>
    %get3A_11 = vector.shape_cast %get3A_10 : vector<1x2000x16xf32> to vector<2000x16xf32>
    %add3A_12 = arith.addf %add3A, %get3A_11 : vector<2000x16xf32>
    %reduce_sum3A = arith.constant dense<0.000000e+00> : vector<2000xf32>
    %reduce_sum3A_13 = vector.multi_reduction <add>, %add3A_12, %reduce_sum3A [1] : vector<2000x16xf32> to vector<2000xf32>
    %broadcast_in_dim3A = vector.shape_cast %reduce_sum3A_13 : vector<2000xf32> to vector<2000x1xf32>
    %div3A = arith.constant 1.600000e+01 : f32
    %div3A_14 = vector.broadcast %div3A : f32 to vector<2000x1xf32>
    %div3A_15 = arith.divf %broadcast_in_dim3A, %div3A_14 : vector<2000x1xf32>
    %sub3A = vector.broadcast %div3A_15 : vector<2000x1xf32> to vector<2000x16xf32>
    %sub3A_16 = arith.subf %add3A_12, %sub3A : vector<2000x16xf32>
    %integer_pow3A = arith.mulf %sub3A_16, %sub3A_16 : vector<2000x16xf32>
    %reduce_sum3A_17 = arith.constant dense<0.000000e+00> : vector<2000xf32>
    %reduce_sum3A_18 = vector.multi_reduction <add>, %integer_pow3A, %reduce_sum3A_17 [1] : vector<2000x16xf32> to vector<2000xf32>
    %broadcast_in_dim3A_19 = vector.shape_cast %reduce_sum3A_18 : vector<2000xf32> to vector<2000x1xf32>
    %div3A_20 = arith.constant 1.600000e+01 : f32
    %div3A_21 = vector.broadcast %div3A_20 : f32 to vector<2000x1xf32>
    %div3A_22 = arith.divf %broadcast_in_dim3A_19, %div3A_21 : vector<2000x1xf32>
    %sub3A_23 = vector.broadcast %div3A_15 : vector<2000x1xf32> to vector<2000x16xf32>
    %sub3A_24 = arith.subf %add3A_12, %sub3A_23 : vector<2000x16xf32>
    %add3A_25 = arith.constant 9.99999974E-6 : f32
    %add3A_26 = vector.broadcast %add3A_25 : f32 to vector<2000x1xf32>
    %add3A_27 = arith.addf %div3A_22, %add3A_26 : vector<2000x1xf32>
    %rsqrt3A = math.rsqrt %add3A_27 : vector<2000x1xf32>
    %mul3A = vector.broadcast %rsqrt3A : vector<2000x1xf32> to vector<2000x16xf32>
    %mul3A_28 = arith.mulf %sub3A_24, %mul3A : vector<2000x16xf32>
    %get3A_29 = arith.constant 0 : index
    %get3A_30 = arith.constant 0 : index
    %get3A_31 = vector.load %arg3[%get3A_29, %get3A_30] : memref<1x16xf32, #tpu.memory_space<vmem>>, vector<1x16xf32>
    %mul3A_32 = vector.broadcast %get3A_31 : vector<1x16xf32> to vector<2000x16xf32>
    %mul3A_33 = arith.mulf %mul3A_28, %mul3A_32 : vector<2000x16xf32>
    %get3A_34 = arith.constant 0 : index
    %get3A_35 = arith.constant 0 : index
    %get3A_36 = vector.load %arg4[%get3A_34, %get3A_35] : memref<1x16xf32, #tpu.memory_space<vmem>>, vector<1x16xf32>
    %add3A_37 = vector.broadcast %get3A_36 : vector<1x16xf32> to vector<2000x16xf32>
    %add3A_38 = arith.addf %mul3A_33, %add3A_37 : vector<2000x16xf32>
    %swap3A = arith.constant 0 : index
    %swap3A_39 = arith.constant 0 : index
    %swap3A_40 = vector.load %arg5[%swap3A, %swap3A_39] : memref<2000x16xf32, #tpu.memory_space<vmem>>, vector<2000x16xf32>
    tpu.vector_store %arg5[%swap3A, %swap3A_39], %add3A_38 {strides = array<i32>} : memref<2000x16xf32, #tpu.memory_space<vmem>>, vector<2000x16xf32>,
    return
  }
  func.func @transform_0(%arg0: i32) -> (i32, i32) {
    %c0_i32 = arith.constant 0 : i32
    %c0_i32_0 = arith.constant 0 : i32
    return %arg0, %c0_i32 : i32, i32
  }
  func.func @transform_1(%arg0: i32) -> (i32, i32, i32) {
    %c0_i32 = arith.constant 0 : i32
    %c0_i32_0 = arith.constant 0 : i32
    %c0_i32_1 = arith.constant 0 : i32
    return %c0_i32, %arg0, %c0_i32_0 : i32, i32, i32
  }
  func.func @transform_2(%arg0: i32) -> (i32, i32) {
    %c0_i32 = arith.constant 0 : i32
    %c0_i32_0 = arith.constant 0 : i32
    %c0_i32_1 = arith.constant 0 : i32
    return %c0_i32, %c0_i32_0 : i32, i32
  }
  func.func @transform_3(%arg0: i32) -> (i32, i32) {
    %c0_i32 = arith.constant 0 : i32
    %c0_i32_0 = arith.constant 0 : i32
    %c0_i32_1 = arith.constant 0 : i32
    return %c0_i32, %c0_i32_0 : i32, i32
  }
  func.func @transform_4(%arg0: i32) -> (i32, i32) {
    %c0_i32 = arith.constant 0 : i32
    %c0_i32_0 = arith.constant 0 : i32
    return %arg0, %c0_i32 : i32, i32
  }
}

</mosaic_0001>

<sc_bundles>
// kernel: kernel.6.cloned.1.call-start
scs
__scs_entry_jumppad:
0x0: {  	(pc) =	sbr.rel $0x88, $3  }
0x1: {  	(tag) =	ssettag $0x0;
	lr =	simm.s32 $0x1  }
0x2: {  	[smem:$0x3F9A] =	sst lr;
	_ =	strace $0xD0000000  }
0x3: {  	_ = 	snop  }
0x4: {  	_ = 	snop  }
0x5: {  	_ = 	snop  }
0x6: {  	_ = 	snop  }
0x7: {  	_ = 	snop  }
__scs_overlays_trampoline_lowered:
0x8: {  	[smem:$0x3FA9] =	sst s0  }
0x9: {  	[smem:$0x3FAA] =	sst s1  }
0xa: {  	[smem:$0x3FAB] =	sst s2  }
0xb: {  	[smem:$0x3FAC] =	sst s3  }
0xc: {  	[smem:$0x3FAD] =	sst s4  }
0xd: {  	[smem:$0x3FAE] =	sst s5  }
0xe: {  	[smem:$0x3FAF] =	sst s6  }
0xf: {  	[smem:$0x3FB0] =	sst s7  }
0x10: {  	[smem:$0x3FB1] =	sst s8  }
0x11: {  	[smem:$0x3FB2] =	sst s9;
	s0 =	simm.s32 @!p0 $0x0  }
0x12: {  	s1 =	sld [smem:$0x3F98];
	s0 =	simm.s32 @p0 $0x1  }
0x13: {  	[smem:$0x3FB3] =	sst s0;
	s0 =	simm.s32 @!p1 $0x0  }
0x14: {  	s2 =	sld [smem:$0x3F97];
	s0 =	simm.s32 @p1 $0x1  }
0x15: {  	[smem:$0x3FB4] =	sst s0;
	s0 =	simm.s32 @!p2 $0x0  }
0x16: {  	s3 =	sld [smem:$0x3FDB];
	s0 =	simm.s32 @p2 $0x1  }
0x17: {  	s4 =	simm.s32 $0x1BF5;
	[smem:$0x3FB6] =	sst s0  }
0x18: {  	s0 =	sld [smem:$0x3F99];
	_ =	swait.ge [sflag:s4], $0x0  }
0x19: {  	s7 =	sld [smem:$0x3F9A]  }
0x1a: {  	s8 =	sadd.s32 $0xFFFFE003, lr  }
0x1b: {  	s9 =	sadd.s32 $0xFFFFFEF7, lr;
	s5 =	simm.s32 $0xFFFFFFFF;
	p2 =	slt.u32 s8, $0xFFFFF086  }
0x1c: {  	p1 =	slt.u32 s9, $0xF7A;
	s5 =	simm.s32 @!p2 $0x0  }
0x1d: {  	s5 =	simm.s32 @p1 $0x1;
	p0 =	seq.s32 s7, s2  }
0x1e: {  	s7 =	smul.u32 @!p0 $0xF7A, s2;
	p2 =	seq.s32 @!p0 s5, $0x0  }
0x1f: {  	s9 =	smul.u32 $0xF7A, s1;
	s8 =	simm.s32 @!p0 $0x1BF5;
	p2 =	por !p2, p0  }
0x20: {  	[sflag:s8] =	ssyncset.s32 @!p0 $0xFFFFF086;
	s6 =	sadd.s32 @!p0 s3, s7;
	s7 =	simm.s32 @!p0 $0x108  }
0x21: {  	s3 =	sadd.s32 s3, s9;
	s6 =	sadd.s32 @!p0 $0x88, s6;
	s7 =	simm.s32 @p2 $0x1082  }
0x22: {  	[simem:s7], [sflag:s8] =	dma.local @!p0 [hbm:s6], $0xF7A  }
0x23: {  	s9 =	sor.u32 $0xD0000000, s2;
	s6 =	simm.s32 $0x108;
	_ =	swait.ge @!p0 [sflag:s8], $0x0  }
0x24: {  	s3 =	sadd.s32 $0x88, s3;
	s6 =	simm.s32 @!p1 $0x1082;
	[sflag:s4] =	ssyncset.s32 $0xFFFFF086  }
0x25: {  	[simem:s6], [sflag:s4] =	dma.local [hbm:s3], $0xF7A  }
0x26: {  	[smem:$0x3F9A] =	sst s1;
	(tag) =	ssettag s2;
	_ =	strace s9  }
0x27: {  	s1 =	sld [smem:$0x3FAA]  }
0x28: {  	s2 =	sld [smem:$0x3FAB]  }
0x29: {  	s4 =	sld [smem:$0x3FAD]  }
0x2a: {  	p0 =	seq.s32 s5, $0x0;
	s5 =	sld [smem:$0x3FAE]  }
0x2b: {  	s6 =	sld [smem:$0x3FAF]  }
0x2c: {  	s7 =	sld [smem:$0x3FB0]  }
0x2d: {  	s3 =	simm.s32 $0x108;
	s8 =	sld [smem:$0x3FB1]  }
0x2e: {  	s3 =	simm.s32 @!p0 $0x1082;
	s9 =	sld [smem:$0x3FB2]  }
0x2f: {  	lr =	sadd.s32 s0, s3;
	s0 =	sld [smem:$0x3FA9]  }
0x30: {  	s3 =	sld [smem:$0x3FAC]  }
0x31: {  	[smem:$0x3FB5] =	sst s10  }
0x32: {  	s10 =	sld [smem:$0x3FB3];
	_ =	sdelay $0x3  }
0x33: {  	p0 =	seq.s32 s10, $0x1;
	s10 =	sld [smem:$0x3FB5];
	_ =	sdelay $0x3  }
0x34: {  	[smem:$0x3FB5] =	sst s10  }
0x35: {  	s10 =	sld [smem:$0x3FB4];
	_ =	sdelay $0x3  }
0x36: {  	p1 =	seq.s32 s10, $0x1;
	s10 =	sld [smem:$0x3FB5];
	_ =	sdelay $0x3  }
0x37: {  	[smem:$0x3FB5] =	sst s10  }
0x38: {  	s10 =	sld [smem:$0x3FB6]  }
0x39: {  	_ = 	snop;
	(pc) =	sbr.ind lr, $3  }
0x3a: {  	_ = 	snop  }
0x3b: {  	_ = 	snop  }
0x3c: {  	p2 =	seq.s32 s10, $0x1;
	s10 =	sld [smem:$0x3FB5]  }
0x3d: {  	_ =	shalt  }
0x3e: {  	_ =	shalt  }
0x3f: {  	_ =	shalt  }
0x40: {  	_ =	shalt  }
0x41: {  	_ =	shalt  }
0x42: {  	_ =	shalt  }
0x43: {  	_ =	shalt  }
0x44: {  	_ =	shalt  }
0x45: {  	_ =	shalt  }
0x46: {  	_ =	shalt  }
0x47: {  	_ =	shalt  }
0x48: {  	_ =	shalt  }
0x49: {  	_ =	shalt  }
0x4a: {  	_ =	shalt  }
0x4b: {  	_ =	shalt  }
0x4c: {  	_ =	shalt  }
0x4d: {  	_ =	shalt  }
0x4e: {  	_ =	shalt  }
0x4f: {  	_ =	shalt  }
0x50: {  	_ =	shalt  }
0x51: {  	_ =	shalt  }
0x52: {  	_ =	shalt  }
0x53: {  	_ =	shalt  }
0x54: {  	_ =	shalt  }
0x55: {  	_ =	shalt  }
0x56: {  	_ =	shalt  }
0x57: {  	_ =	shalt  }
0x58: {  	_ =	shalt  }
0x59: {  	_ =	shalt  }
0x5a: {  	_ =	shalt  }
0x5b: {  	_ =	shalt  }
0x5c: {  	_ =	shalt  }
0x5d: {  	_ =	shalt  }
0x5e: {  	_ =	shalt  }
0x5f: {  	_ =	shalt  }
0x60: {  	_ =	shalt  }
0x61: {  	_ =	shalt  }
0x62: {  	_ =	shalt  }
0x63: {  	_ =	shalt  }
0x64: {  	_ =	shalt  }
0x65: {  	_ =	shalt  }
0x66: {  	_ =	shalt  }
0x67: {  	_ =	shalt  }
0x68: {  	_ =	shalt  }
0x69: {  	_ =	shalt  }
0x6a: {  	_ =	shalt  }
0x6b: {  	_ =	shalt  }
0x6c: {  	_ =	shalt  }
0x6d: {  	_ =	shalt  }
0x6e: {  	_ =	shalt  }
0x6f: {  	_ =	shalt  }
0x70: {  	_ =	shalt  }
0x71: {  	_ =	shalt  }
0x72: {  	_ =	shalt  }
0x73: {  	_ =	shalt  }
0x74: {  	_ =	shalt  }
0x75: {  	_ =	shalt  }
0x76: {  	_ =	shalt  }
0x77: {  	_ =	shalt  }
0x78: {  	_ =	shalt  }
0x79: {  	_ =	shalt  }
0x7a: {  	_ =	shalt  }
0x7b: {  	_ =	shalt  }
0x7c: {  	_ =	shalt  }
0x7d: {  	_ =	shalt  }
0x7e: {  	_ =	shalt  }
0x7f: {  	_ =	shalt  }
0x80: {  	_ =	shalt  }
0x81: {  	_ =	shalt  }
0x82: {  	_ =	shalt  }
0x83: {  	_ =	shalt  }
0x84: {  	_ =	shalt  }
0x85: {  	_ =	shalt  }
0x86: {  	_ =	shalt  }
0x87: {  	_ =	shalt  }
.Lfunc_end0:
.L_simem_size_0:
called_computation_lowered:
.L_overlay_start_0:
0x88: {  	s2 =	sld [smem:$0x3FD9]  }
0x89: {  	s3 =	sld [smem:$0x3FFE];
	_ =	sdelay $0x1  }
0x8a: {  	s1 =	srdreg.scid  }
0x8b: {  	s0 =	sand.u32 $0x1, s1  }
0x8c: {  	s17 =	sshll.u32 s0, $0xA;
	s2 =	sadd.s32 s3, s2  }
0x8d: {  	s2 =	sadd.s32 s2, s17  }
0x8e: {  	[smem:$0x3FC1] =	sst s2  }
0x8f: {  	_ = 	snop  }
0x90: {  	s2 =	sld [smem:$0x3FD0];
	(tm) =	ssettm $0x1  }
0x91: {  	s18 =	sld [smem:$0x3FFB];
	_ =	sdelay $0x3  }
0x92: {  	_ =	strace s18  }
0x93: {  	s3 =	sld [smem:$0x3FFC];
	_ =	sdelay $0x3  }
0x94: {  	_ =	strace s3  }
0x95: {  	s3 =	sld [smem:$0x3FFD];
	_ =	sdelay $0x3  }
0x96: {  	_ =	strace s3  }
0x97: {  	_ =	strace $0x8FFFFFFF  }
0x98: {  	s19 =	sld [smem:$0x3FDB];
	_ =	sdelay $0x1  }
0x99: {  	s4 =	simm.s32 $_scs_section_size  }
0x9a: {  	s5 =	simm.s32 $_size__tile_overlayer_lowered;
	s6 =	simm.s32 $_tile_overlayer_lowered  }
0x9b: {  	s22 =	simm.s32 $0x1BFF;
	s21 =	sshll.u32 s6, $0x1;
	s3 =	sadd.s32 s4, s19  }
0x9c: {  	s7 =	simm.s32 $0x0;
	s20 =	sshll.u32 s5, $0x1;
	s5 =	sadd.s32 s21, s3  }
0x9d: {  	[timem:s7], [sflag:s22] =	dma.local [hbm:s5], s20  }
0x9e: {  	_ =	swait.ge [sflag:s22], s20  }
0x9f: {  	s4 =	ssub.s32 $0x0, s20;
	[sflag:s22] =	ssyncset.done $0x0  }
0xa0: {  	[sflag:s22] =	ssyncadd.s32 s4;
	_ =	sdelay $0x1  }
0xa1: {  	s23 =	simm.s32 $0x1B8B  }
0xa2: {  	_ =	swait.ge [sflag:s23], $0x1  }
0xa3: {  	[sflag:s23] =	ssyncset.done $0x0  }
0xa4: {  	s25 =	simm.s32 $0x1B8E;
	s24 =	sld [smem:$0x3FFE];
	[sflag:s23] =	ssyncadd.s32 $0xFFFFFFFF  }
0xa5: {  	s26 =	simm.s32 $execute0_lowered;
	[smem:$0x3FD2] =	sst s25  }
0xa6: {  	s5 =	sshll.u32 s26, $0x1;
	_ =	strace $0x80000046;
	[dreg:$0x1] =	wrdreg $0xFFFFFFFF  }
0xa7: {  	s28 =	simm.s32 $_size_execute0_lowered;
	s3 =	sadd.s32 s3, s5;
	[dreg:$0x0] =	wrdreg $0x0  }
0xa8: {  	s5 =	sshll.u32 s28, $0x1;
	[dreg:$0x2] =	wrdreg s3  }
0xa9: {  	[dreg:$0x3] =	wrdreg s5  }
0xaa: {  	[dreg:$0x4] =	wrdreg $0xC0  }
0xab: {  	_ =	task [dreg:s7], $0x5FFFF  }
0xac: {  	[dreg:$0x1] =	wrdreg $0xFFFFFFFF  }
0xad: {  	[dreg:$0x0] =	wrdreg $0x60  }
0xae: {  	[dreg:$0x2] =	wrdreg s2  }
0xaf: {  	[dreg:$0x3] =	wrdreg s24  }
0xb0: {  	[dreg:$0x4] =	wrdreg $0x9  }
0xb1: {  	_ =	task.clear_ibuf [dreg:s7], $0x5FFFF;
	_ =	strace $0x90000046  }
0xb2: {  	s29 =	simm.s32 $0x9;
	_ =	strace $0x80000048  }
0xb3: {  	_ =	swait.ge [sflag:s29], $0x1  }
0xb4: {  	[sflag:s29] =	ssyncadd.s32 $0xFFFFFFFF  }
0xb5: {  	_ =	strace $0x90000048  }
0xb6: {  	_ =	sfence  }
0xb7: {  	s30 =	sld [smem:$0x0];
	_ =	sdelay $0x2  }
0xb8: {  	s31 =	sshll.u32 s1, $0xD;
	s1 =	sshrl.u32 s1, $0x2  }
0xb9: {  	s3 =	sand.u32 $0x4000, s31;
	s1 =	sadd.s32 s1, s30  }
0xba: {  	s0 =	sor.u32 s3, s0;
	s1 =	sshll.u32 s1, $0x11  }
0xbb: {  	s0 =	sor.u32 s1, s0  }
0xbc: {  	s0 =	sadd.s32 $0x8F2B, s0  }
0xbd: {  	[sflag:s0] =	ssyncadd.remote.s32 $0x1  }
0xbe: {  	_ =	sfence.sel $0xFFFF  }
0xbf: {  	[dreg:$0x0] =	wrdreg $0xFFFFFFFF;
	(pc) =	sbr.abs _section_cstart, $3  }
0xc0: {  	[dreg:$0x1] =	wrdreg $0xFFFFFFFF  }
0xc1: {  	_ =	task.clear_ibuf [dreg:s7], $0x2FFFF;
	_ =	strace $0x9FFFFFFF  }
0xc2: {  	(tm) =	ssettm $0x7FFFFFFF  }
0xc3: {  	_ =	shalt  }
tec
execute0_lowered:
.L_overlay_start_1:
0x0: {  	(tag) =	ssettag $0x1  }
0x1: {  	s1 =	srdreg.scid;
	s0 =	stileid.u32  }
0x2: {  	s16 =	sand.u32 $0x1, s1;
	s26 =	sshll.u32 s0, $0x1  }
0x3: {  	s2 =	rddreg [dreg:$0x0];
	s8 =	sor.u32 s16, s26  }
0x4: {  	s9 =	rddreg [dreg:$0x1];
	s17 =	smul.u32 $0x2710, s8  }
0x5: {  	s3 =	simm.s32 $0x0;
	s1 =	rddreg [dreg:$0x2]  }
0x6: {  	[smem:$0x7FF] =	sst s3;
	s15 =	sadd.s32 $0x29E00, s9;
	s4 =	sshrl.u32 s17, $0x3  }
0x7: {  	_ =	strace $0x80000047;
	s5 =	sadd.s32 s15, s4;
	s4 =	simm.s32 $0x2  }
0x8: {  	[tilespmem:s3], [sflag:$0x2] =	stream.linear.gather [hbm4b:s5+s3], $0x7D0, $0x38;
	[tilespmem:$0x84D0] =	vst v63  }
0x9: {  	_ =	swait.ge [sflag:s4], $0x7D0  }
0xa: {  	[sflag:s4] =	ssyncset.done $0x0  }
0xb: {  	s6 =	simm.s32 $0x7D0;
	s7 =	simm.s32 $0x1;
	[sflag:s4] =	ssyncadd.s32 $0xFFFFF830  }
0xc: {  	[tilespmem:s6], [sflag:$0x1] =	stream.indirect.gather [hbm4b:s2+s6], $0x10, s3, s6, $0xb8;
	[tilespmem:$0x84D0] =	vst v63  }
0xd: {  	s8 =	smul.u32 $0x4E20, s8;
	_ =	swait.ge [sflag:s7], $0x7D00  }
0xe: {  	s18 =	sadd.s32 $0x3DA00, s9;
	[sflag:s7] =	ssyncset.done $0x0  }
0xf: {  	s8 =	sadd.s32 s18, s8;
	[sflag:s7] =	ssyncadd.s32 $0xFFFF8300  }
0x10: {  	[hbm4b:s8+s3] =	stream.linear.scatter [tilespmem:s6], [sflag:$0x2], $0x7D00, $0x38;
	[tilespmem:$0x84D0] =	vst v63  }
0x11: {  	s10 =	sadd.s32 $0x7D0, s17;
	_ =	swait.ge [sflag:s4], $0x7D00  }
0x12: {  	s28 =	sshrl.u32 s10, $0x3;
	[sflag:s4] =	ssyncset.done $0x0  }
0x13: {  	s9 =	sadd.s32 s15, s28;
	[sflag:s4] =	ssyncadd.s32 $0xFFFF8300  }
0x14: {  	[tilespmem:s3], [sflag:$0x2] =	stream.linear.gather [hbm4b:s9+s3], $0x7D0, $0x38;
	[tilespmem:$0x84D0] =	vst v63  }
0x15: {  	_ =	swait.ge [sflag:s4], $0x7D0  }
0x16: {  	[sflag:s4] =	ssyncset.done $0x0  }
0x17: {  	[sflag:s4] =	ssyncadd.s32 $0xFFFFF830  }
0x18: {  	[tilespmem:s6], [sflag:$0x1] =	stream.indirect.gather [hbm4b:s2+s6], $0x10, s3, s6, $0xb8;
	[tilespmem:$0x84D0] =	vst v63  }
0x19: {  	_ =	swait.ge [sflag:s7], $0x7D00  }
0x1a: {  	s10 =	sshll.u32 s10, $0x1;
	[sflag:s7] =	ssyncset.done $0x0  }
0x1b: {  	s10 =	sadd.s32 s18, s10;
	[sflag:s7] =	ssyncadd.s32 $0xFFFF8300  }
0x1c: {  	[hbm4b:s10+s3] =	stream.linear.scatter [tilespmem:s6], [sflag:$0x2], $0x7D00, $0x38;
	[tilespmem:$0x84D0] =	vst v63  }
0x1d: {  	s12 =	sadd.s32 $0xFA0, s17;
	_ =	swait.ge [sflag:s4], $0x7D00  }
0x1e: {  	s11 =	sshrl.u32 s12, $0x3;
	[sflag:s4] =	ssyncset.done $0x0  }
0x1f: {  	s11 =	sadd.s32 s15, s11;
	[sflag:s4] =	ssyncadd.s32 $0xFFFF8300  }
0x20: {  	[tilespmem:s3], [sflag:$0x2] =	stream.linear.gather [hbm4b:s11+s3], $0x7D0, $0x38;
	[tilespmem:$0x84D0] =	vst v63  }
0x21: {  	_ =	swait.ge [sflag:s4], $0x7D0  }
0x22: {  	[sflag:s4] =	ssyncset.done $0x0  }
0x23: {  	[sflag:s4] =	ssyncadd.s32 $0xFFFFF830  }
0x24: {  	[tilespmem:s6], [sflag:$0x1] =	stream.indirect.gather [hbm4b:s2+s6], $0x10, s3, s6, $0xb8;
	[tilespmem:$0x84D0] =	vst v63  }
0x25: {  	_ =	swait.ge [sflag:s7], $0x7D00  }
0x26: {  	s12 =	sshll.u32 s12, $0x1;
	[sflag:s7] =	ssyncset.done $0x0  }
0x27: {  	s12 =	sadd.s32 s18, s12;
	[sflag:s7] =	ssyncadd.s32 $0xFFFF8300  }
0x28: {  	[hbm4b:s12+s3] =	stream.linear.scatter [tilespmem:s6], [sflag:$0x2], $0x7D00, $0x38;
	[tilespmem:$0x84D0] =	vst v63  }
0x29: {  	s14 =	sadd.s32 $0x1770, s17;
	_ =	swait.ge [sflag:s4], $0x7D00  }
0x2a: {  	s13 =	sshrl.u32 s14, $0x3;
	[sflag:s4] =	ssyncset.done $0x0  }
0x2b: {  	s13 =	sadd.s32 s15, s13;
	[sflag:s4] =	ssyncadd.s32 $0xFFFF8300  }
0x2c: {  	[tilespmem:s3], [sflag:$0x2] =	stream.linear.gather [hbm4b:s13+s3], $0x7D0, $0x38;
	[tilespmem:$0x84D0] =	vst v63  }
0x2d: {  	_ =	swait.ge [sflag:s4], $0x7D0  }
0x2e: {  	[sflag:s4] =	ssyncset.done $0x0  }
0x2f: {  	[sflag:s4] =	ssyncadd.s32 $0xFFFFF830  }
0x30: {  	[tilespmem:s6], [sflag:$0x1] =	stream.indirect.gather [hbm4b:s2+s6], $0x10, s3, s6, $0xb8;
	[tilespmem:$0x84D0] =	vst v63  }
0x31: {  	_ =	swait.ge [sflag:s7], $0x7D00  }
0x32: {  	s14 =	sshll.u32 s14, $0x1;
	[sflag:s7] =	ssyncset.done $0x0  }
0x33: {  	s14 =	sadd.s32 s18, s14;
	[sflag:s7] =	ssyncadd.s32 $0xFFFF8300  }
0x34: {  	[hbm4b:s14+s3] =	stream.linear.scatter [tilespmem:s6], [sflag:$0x2], $0x7D00, $0x38;
	[tilespmem:$0x84D0] =	vst v63  }
0x35: {  	s17 =	sadd.s32 $0x1F40, s17;
	_ =	swait.ge [sflag:s4], $0x7D00  }
0x36: {  	s19 =	sshrl.u32 s17, $0x3;
	[sflag:s4] =	ssyncset.done $0x0  }
0x37: {  	s16 =	ssub.s32 $0x2, s16;
	s15 =	sadd.s32 s15, s19;
	[sflag:s4] =	ssyncadd.s32 $0xFFFF8300  }
0x38: {  	[tilespmem:s3], [sflag:$0x2] =	stream.linear.gather [hbm4b:s15+s3], $0x7D0, $0x38;
	[tilespmem:$0x84D0] =	vst v63  }
0x39: {  	s29 =	sshrl.u32 s16, $0x1;
	_ =	swait.ge [sflag:s4], $0x7D0  }
0x3a: {  	s19 =	ssub.s32 s16, s29;
	[sflag:s4] =	ssyncset.done $0x0  }
0x3b: {  	s31 =	smax.u32 s19, $0x1;
	[sflag:s4] =	ssyncadd.s32 $0xFFFFF830  }
0x3c: {  	[tilespmem:s6], [sflag:$0x1] =	stream.indirect.gather [hbm4b:s2+s6], $0x10, s3, s6, $0xb8;
	[tilespmem:$0x84D0] =	vst v63  }
0x3d: {  	p0 =	sne.s32 s31, $0x1;
	_ =	swait.ge [sflag:s7], $0x7D00  }
.Ltmp0:
0x3e: {  	s30 =	sshll.u32 s17, $0x1;
	[sflag:s7] =	ssyncset.done $0x0;
	(pc) =	sbr.rel @!p0 .LBB2_2-.Ltmp0, $4  }
0x3f: {  	s16 =	sadd.s32 s18, s30;
	[sflag:s7] =	ssyncadd.s32 $0xFFFF8300  }
0x40: {  	[hbm4b:s16+s3] =	stream.linear.scatter [tilespmem:s6], [sflag:$0x2], $0x7D00, $0x38;
	[tilespmem:$0x84D0] =	vst v63  }
0x41: {  	_ =	swait.ge [sflag:s4], $0x7D00  }
0x42: {  	s17 =	sadd.s32 $0xFFFFFFFF, s31;
	[sflag:s4] =	ssyncset.done $0x0  }
.LBB2_1:
0x43: {  	p0 =	sne.s32 s17, $0x1;
	s17 =	sadd.s32 $0xFFFFFFFF, s17;
	[sflag:s4] =	ssyncadd.s32 $0xFFFF8300  }
0x44: {  	[tilespmem:s3], [sflag:$0x2] =	stream.linear.gather [hbm4b:s5+s3], $0x7D0, $0x38;
	[tilespmem:$0x84D0] =	vst v63  }
0x45: {  	_ =	swait.ge [sflag:s4], $0x7D0  }
0x46: {  	[sflag:s4] =	ssyncset.done $0x0  }
0x47: {  	[sflag:s4] =	ssyncadd.s32 $0xFFFFF830  }
0x48: {  	[tilespmem:s6], [sflag:$0x1] =	stream.indirect.gather [hbm4b:s2+s6], $0x10, s3, s6, $0xb8;
	[tilespmem:$0x84D0] =	vst v63  }
0x49: {  	_ =	swait.ge [sflag:s7], $0x7D00  }
0x4a: {  	[sflag:s7] =	ssyncset.done $0x0  }
0x4b: {  	[sflag:s7] =	ssyncadd.s32 $0xFFFF8300  }
0x4c: {  	[hbm4b:s8+s3] =	stream.linear.scatter [tilespmem:s6], [sflag:$0x2], $0x7D00, $0x38;
	[tilespmem:$0x84D0] =	vst v63  }
0x4d: {  	_ =	swait.ge [sflag:s4], $0x7D00  }
0x4e: {  	[sflag:s4] =	ssyncset.done $0x0  }
0x4f: {  	[sflag:s4] =	ssyncadd.s32 $0xFFFF8300  }
0x50: {  	[tilespmem:s3], [sflag:$0x2] =	stream.linear.gather [hbm4b:s9+s3], $0x7D0, $0x38;
	[tilespmem:$0x84D0] =	vst v63  }
0x51: {  	_ =	swait.ge [sflag:s4], $0x7D0  }
0x52: {  	[sflag:s4] =	ssyncset.done $0x0  }
0x53: {  	[sflag:s4] =	ssyncadd.s32 $0xFFFFF830  }
0x54: {  	[tilespmem:s6], [sflag:$0x1] =	stream.indirect.gather [hbm4b:s2+s6], $0x10, s3, s6, $0xb8;
	[tilespmem:$0x84D0] =	vst v63  }
0x55: {  	_ =	swait.ge [sflag:s7], $0x7D00  }
0x56: {  	[sflag:s7] =	ssyncset.done $0x0  }
0x57: {  	[sflag:s7] =	ssyncadd.s32 $0xFFFF8300  }
0x58: {  	[hbm4b:s10+s3] =	stream.linear.scatter [tilespmem:s6], [sflag:$0x2], $0x7D00, $0x38;
	[tilespmem:$0x84D0] =	vst v63  }
0x59: {  	_ =	swait.ge [sflag:s4], $0x7D00  }
0x5a: {  	[sflag:s4] =	ssyncset.done $0x0  }
0x5b: {  	[sflag:s4] =	ssyncadd.s32 $0xFFFF8300  }
0x5c: {  	[tilespmem:s3], [sflag:$0x2] =	stream.linear.gather [hbm4b:s11+s3], $0x7D0, $0x38;
	[tilespmem:$0x84D0] =	vst v63  }
0x5d: {  	_ =	swait.ge [sflag:s4], $0x7D0  }
0x5e: {  	[sflag:s4] =	ssyncset.done $0x0  }
0x5f: {  	[sflag:s4] =	ssyncadd.s32 $0xFFFFF830  }
0x60: {  	[tilespmem:s6], [sflag:$0x1] =	stream.indirect.gather [hbm4b:s2+s6], $0x10, s3, s6, $0xb8;
	[tilespmem:$0x84D0] =	vst v63  }
0x61: {  	_ =	swait.ge [sflag:s7], $0x7D00  }
0x62: {  	[sflag:s7] =	ssyncset.done $0x0  }
0x63: {  	[sflag:s7] =	ssyncadd.s32 $0xFFFF8300  }
0x64: {  	[hbm4b:s12+s3] =	stream.linear.scatter [tilespmem:s6], [sflag:$0x2], $0x7D00, $0x38;
	[tilespmem:$0x84D0] =	vst v63  }
0x65: {  	_ =	swait.ge [sflag:s4], $0x7D00  }
0x66: {  	[sflag:s4] =	ssyncset.done $0x0  }
0x67: {  	[sflag:s4] =	ssyncadd.s32 $0xFFFF8300  }
0x68: {  	[tilespmem:s3], [sflag:$0x2] =	stream.linear.gather [hbm4b:s13+s3], $0x7D0, $0x38;
	[tilespmem:$0x84D0] =	vst v63  }
0x69: {  	_ =	swait.ge [sflag:s4], $0x7D0  }
0x6a: {  	[sflag:s4] =	ssyncset.done $0x0  }
0x6b: {  	[sflag:s4] =	ssyncadd.s32 $0xFFFFF830  }
0x6c: {  	[tilespmem:s6], [sflag:$0x1] =	stream.indirect.gather [hbm4b:s2+s6], $0x10, s3, s6, $0xb8;
	[tilespmem:$0x84D0] =	vst v63  }
0x6d: {  	_ =	swait.ge [sflag:s7], $0x7D00  }
0x6e: {  	[sflag:s7] =	ssyncset.done $0x0  }
0x6f: {  	[sflag:s7] =	ssyncadd.s32 $0xFFFF8300  }
0x70: {  	[hbm4b:s14+s3] =	stream.linear.scatter [tilespmem:s6], [sflag:$0x2], $0x7D00, $0x38;
	[tilespmem:$0x84D0] =	vst v63  }
0x71: {  	_ =	swait.ge [sflag:s4], $0x7D00  }
0x72: {  	[sflag:s4] =	ssyncset.done $0x0  }
0x73: {  	[sflag:s4] =	ssyncadd.s32 $0xFFFF8300  }
0x74: {  	[tilespmem:s3], [sflag:$0x2] =	stream.linear.gather [hbm4b:s15+s3], $0x7D0, $0x38;
	[tilespmem:$0x84D0] =	vst v63  }
0x75: {  	_ =	swait.ge [sflag:s4], $0x7D0  }
0x76: {  	[sflag:s4] =	ssyncset.done $0x0  }
0x77: {  	[sflag:s4] =	ssyncadd.s32 $0xFFFFF830  }
0x78: {  	[tilespmem:s6], [sflag:$0x1] =	stream.indirect.gather [hbm4b:s2+s6], $0x10, s3, s6, $0xb8;
	[tilespmem:$0x84D0] =	vst v63  }
0x79: {  	_ =	swait.ge [sflag:s7], $0x7D00  }
.Ltmp1:
0x7a: {  	[sflag:s7] =	ssyncset.done $0x0;
	(pc) =	sbr.rel @p0 .LBB2_1-.Ltmp1, $4  }
0x7b: {  	[sflag:s7] =	ssyncadd.s32 $0xFFFF8300  }
0x7c: {  	[hbm4b:s16+s3] =	stream.linear.scatter [tilespmem:s6], [sflag:$0x2], $0x7D00, $0x38;
	[tilespmem:$0x84D0] =	vst v63  }
0x7d: {  	_ =	swait.ge [sflag:s4], $0x7D00  }
0x7e: {  	[sflag:s4] =	ssyncset.done $0x0  }
.LBB2_2:
0x7f: {  	[sflag:s4] =	ssyncadd.s32 $0xFFFF8300  }
0x80: {  	_ =	sfence.sel $0x180000  }
0x81: {  	[bflag:$0x0] =	sbarrier.arrive $0xFFFF  }
0x82: {  	p0 =	sne.s32 s0, $0x0;
	_ =	strace $0x90000047  }
0x83: {  	s0 =	sadd.s32 @!p0 $0x100000, s1;
	[bflag:$0x2] =	sbarrier.arrive $0xFFFF  }
0x84: {  	[sflag:s0] =	ssyncadd.tile.s32 @!p0 $0x1;
	_ =	shalt  }
.Lfunc_end2:
_tile_overlayer_lowered:
.L_overlay_start_2:
0x85: {  	(tag) =	ssettag $0x2  }
0x86: {  	s0 =	rddreg [dreg:$0x0];
	s2 =	stileid.u32  }
0x87: {  	s1 =	rddreg [dreg:$0x1];
	p0 =	sne.s32 s2, $0x0  }
0x88: {  	s3 =	rddreg [dreg:$0x2];
	[bflag:$0x3] =	sbarrier.arrive $0xFFFF;
	s2 =	simm.s32 @!p0 $0x1C02  }
0x89: {  	[timem:s3], [sflag:s2] =	dma.local @!p0 [hbm:s0], s1  }
0x8a: {  	s0 =	simm.s32 @!p0 $0x2  }
0x8b: {  	_ =	swait.ge @!p0 [sflag:s0], s1  }
0x8c: {  	s1 =	ssub.s32 @!p0 $0x0, s1;
	[sflag:s0] =	ssyncset.done @!p0 $0x0  }
0x8d: {  	[sflag:s0] =	ssyncadd.s32 @!p0 s1  }
0x8e: {  	[bflag:$0x3] =	sbarrier.arrive $0xFFFF  }
0x8f: {  	_ =	shalt  }

// kernel: kernel.9.cloned.1.call-start
scs
__scs_entry_jumppad:
0x0: {  	(pc) =	sbr.rel $0x88, $3  }
0x1: {  	(tag) =	ssettag $0x0;
	lr =	simm.s32 $0x1  }
0x2: {  	[smem:$0x3F9A] =	sst lr;
	_ =	strace $0xD0000000  }
0x3: {  	_ = 	snop  }
0x4: {  	_ = 	snop  }
0x5: {  	_ = 	snop  }
0x6: {  	_ = 	snop  }
0x7: {  	_ = 	snop  }
__scs_overlays_trampoline_lowered:
0x8: {  	[smem:$0x3FA9] =	sst s0  }
0x9: {  	[smem:$0x3FAA] =	sst s1  }
0xa: {  	[smem:$0x3FAB] =	sst s2  }
0xb: {  	[smem:$0x3FAC] =	sst s3  }
0xc: {  	[smem:$0x3FAD] =	sst s4  }
0xd: {  	[smem:$0x3FAE] =	sst s5  }
0xe: {  	[smem:$0x3FAF] =	sst s6  }
0xf: {  	[smem:$0x3FB0] =	sst s7  }
0x10: {  	[smem:$0x3FB1] =	sst s8  }
0x11: {  	[smem:$0x3FB2] =	sst s9;
	s0 =	simm.s32 @!p0 $0x0  }
0x12: {  	s1 =	sld [smem:$0x3F98];
	s0 =	simm.s32 @p0 $0x1  }
0x13: {  	[smem:$0x3FB3] =	sst s0;
	s0 =	simm.s32 @!p1 $0x0  }
0x14: {  	s2 =	sld [smem:$0x3F97];
	s0 =	simm.s32 @p1 $0x1  }
0x15: {  	[smem:$0x3FB4] =	sst s0;
	s0 =	simm.s32 @!p2 $0x0  }
0x16: {  	s3 =	sld [smem:$0x3FDB];
	s0 =	simm.s32 @p2 $0x1  }
0x17: {  	s4 =	simm.s32 $0x1BF5;
	[smem:$0x3FB6] =	sst s0  }
0x18: {  	s0 =	sld [smem:$0x3F99];
	_ =	swait.ge [sflag:s4], $0x0  }
0x19: {  	s7 =	sld [smem:$0x3F9A]  }
0x1a: {  	s8 =	sadd.s32 $0xFFFFE003, lr  }
0x1b: {  	s9 =	sadd.s32 $0xFFFFFEF7, lr;
	s5 =	simm.s32 $0xFFFFFFFF;
	p2 =	slt.u32 s8, $0xFFFFF086  }
0x1c: {  	p1 =	slt.u32 s9, $0xF7A;
	s5 =	simm.s32 @!p2 $0x0  }
0x1d: {  	s5 =	simm.s32 @p1 $0x1;
	p0 =	seq.s32 s7, s2  }
0x1e: {  	s7 =	smul.u32 @!p0 $0xF7A, s2;
	p2 =	seq.s32 @!p0 s5, $0x0  }
0x1f: {  	s9 =	smul.u32 $0xF7A, s1;
	s8 =	simm.s32 @!p0 $0x1BF5;
	p2 =	por !p2, p0  }
0x20: {  	[sflag:s8] =	ssyncset.s32 @!p0 $0xFFFFF086;
	s6 =	sadd.s32 @!p0 s3, s7;
	s7 =	simm.s32 @!p0 $0x108  }
0x21: {  	s3 =	sadd.s32 s3, s9;
	s6 =	sadd.s32 @!p0 $0x88, s6;
	s7 =	simm.s32 @p2 $0x1082  }
0x22: {  	[simem:s7], [sflag:s8] =	dma.local @!p0 [hbm:s6], $0xF7A  }
0x23: {  	s9 =	sor.u32 $0xD0000000, s2;
	s6 =	simm.s32 $0x108;
	_ =	swait.ge @!p0 [sflag:s8], $0x0  }
0x24: {  	s3 =	sadd.s32 $0x88, s3;
	s6 =	simm.s32 @!p1 $0x1082;
	[sflag:s4] =	ssyncset.s32 $0xFFFFF086  }
0x25: {  	[simem:s6], [sflag:s4] =	dma.local [hbm:s3], $0xF7A  }
0x26: {  	[smem:$0x3F9A] =	sst s1;
	(tag) =	ssettag s2;
	_ =	strace s9  }
0x27: {  	s1 =	sld [smem:$0x3FAA]  }
0x28: {  	s2 =	sld [smem:$0x3FAB]  }
0x29: {  	s4 =	sld [smem:$0x3FAD]  }
0x2a: {  	p0 =	seq.s32 s5, $0x0;
	s5 =	sld [smem:$0x3FAE]  }
0x2b: {  	s6 =	sld [smem:$0x3FAF]  }
0x2c: {  	s7 =	sld [smem:$0x3FB0]  }
0x2d: {  	s3 =	simm.s32 $0x108;
	s8 =	sld [smem:$0x3FB1]  }
0x2e: {  	s3 =	simm.s32 @!p0 $0x1082;
	s9 =	sld [smem:$0x3FB2]  }
0x2f: {  	lr =	sadd.s32 s0, s3;
	s0 =	sld [smem:$0x3FA9]  }
0x30: {  	s3 =	sld [smem:$0x3FAC]  }
0x31: {  	[smem:$0x3FB5] =	sst s10  }
0x32: {  	s10 =	sld [smem:$0x3FB3];
	_ =	sdelay $0x3  }
0x33: {  	p0 =	seq.s32 s10, $0x1;
	s10 =	sld [smem:$0x3FB5];
	_ =	sdelay $0x3  }
0x34: {  	[smem:$0x3FB5] =	sst s10  }
0x35: {  	s10 =	sld [smem:$0x3FB4];
	_ =	sdelay $0x3  }
0x36: {  	p1 =	seq.s32 s10, $0x1;
	s10 =	sld [smem:$0x3FB5];
	_ =	sdelay $0x3  }
0x37: {  	[smem:$0x3FB5] =	sst s10  }
0x38: {  	s10 =	sld [smem:$0x3FB6]  }
0x39: {  	_ = 	snop;
	(pc) =	sbr.ind lr, $3  }
0x3a: {  	_ = 	snop  }
0x3b: {  	_ = 	snop  }
0x3c: {  	p2 =	seq.s32 s10, $0x1;
	s10 =	sld [smem:$0x3FB5]  }
0x3d: {  	_ =	shalt  }
0x3e: {  	_ =	shalt  }
0x3f: {  	_ =	shalt  }
0x40: {  	_ =	shalt  }
0x41: {  	_ =	shalt  }
0x42: {  	_ =	shalt  }
0x43: {  	_ =	shalt  }
0x44: {  	_ =	shalt  }
0x45: {  	_ =	shalt  }
0x46: {  	_ =	shalt  }
0x47: {  	_ =	shalt  }
0x48: {  	_ =	shalt  }
0x49: {  	_ =	shalt  }
0x4a: {  	_ =	shalt  }
0x4b: {  	_ =	shalt  }
0x4c: {  	_ =	shalt  }
0x4d: {  	_ =	shalt  }
0x4e: {  	_ =	shalt  }
0x4f: {  	_ =	shalt  }
0x50: {  	_ =	shalt  }
0x51: {  	_ =	shalt  }
0x52: {  	_ =	shalt  }
0x53: {  	_ =	shalt  }
0x54: {  	_ =	shalt  }
0x55: {  	_ =	shalt  }
0x56: {  	_ =	shalt  }
0x57: {  	_ =	shalt  }
0x58: {  	_ =	shalt  }
0x59: {  	_ =	shalt  }
0x5a: {  	_ =	shalt  }
0x5b: {  	_ =	shalt  }
0x5c: {  	_ =	shalt  }
0x5d: {  	_ =	shalt  }
0x5e: {  	_ =	shalt  }
0x5f: {  	_ =	shalt  }
0x60: {  	_ =	shalt  }
0x61: {  	_ =	shalt  }
0x62: {  	_ =	shalt  }
0x63: {  	_ =	shalt  }
0x64: {  	_ =	shalt  }
0x65: {  	_ =	shalt  }
0x66: {  	_ =	shalt  }
0x67: {  	_ =	shalt  }
0x68: {  	_ =	shalt  }
0x69: {  	_ =	shalt  }
0x6a: {  	_ =	shalt  }
0x6b: {  	_ =	shalt  }
0x6c: {  	_ =	shalt  }
0x6d: {  	_ =	shalt  }
0x6e: {  	_ =	shalt  }
0x6f: {  	_ =	shalt  }
0x70: {  	_ =	shalt  }
0x71: {  	_ =	shalt  }
0x72: {  	_ =	shalt  }
0x73: {  	_ =	shalt  }
0x74: {  	_ =	shalt  }
0x75: {  	_ =	shalt  }
0x76: {  	_ =	shalt  }
0x77: {  	_ =	shalt  }
0x78: {  	_ =	shalt  }
0x79: {  	_ =	shalt  }
0x7a: {  	_ =	shalt  }
0x7b: {  	_ =	shalt  }
0x7c: {  	_ =	shalt  }
0x7d: {  	_ =	shalt  }
0x7e: {  	_ =	shalt  }
0x7f: {  	_ =	shalt  }
0x80: {  	_ =	shalt  }
0x81: {  	_ =	shalt  }
0x82: {  	_ =	shalt  }
0x83: {  	_ =	shalt  }
0x84: {  	_ =	shalt  }
0x85: {  	_ =	shalt  }
0x86: {  	_ =	shalt  }
0x87: {  	_ =	shalt  }
.Lfunc_end0:
.L_simem_size_0:
called_computation.1_lowered:
.L_overlay_start_0:
0x88: {  	s2 =	sld [smem:$0x3FD9]  }
0x89: {  	s3 =	sld [smem:$0x3FFE];
	_ =	sdelay $0x1  }
0x8a: {  	s1 =	srdreg.scid  }
0x8b: {  	s0 =	sand.u32 $0x1, s1  }
0x8c: {  	s16 =	sshll.u32 s0, $0xA;
	s2 =	sadd.s32 s3, s2  }
0x8d: {  	s2 =	sadd.s32 s2, s16  }
0x8e: {  	[smem:$0x3FC1] =	sst s2  }
0x8f: {  	_ = 	snop  }
0x90: {  	(tm) =	ssettm $0x1  }
0x91: {  	s17 =	sld [smem:$0x3FFB];
	_ =	sdelay $0x3  }
0x92: {  	_ =	strace s17  }
0x93: {  	s2 =	sld [smem:$0x3FFC];
	_ =	sdelay $0x3  }
0x94: {  	_ =	strace s2  }
0x95: {  	s2 =	sld [smem:$0x3FFD];
	_ =	sdelay $0x3  }
0x96: {  	_ =	strace s2  }
0x97: {  	_ =	strace $0x8FFFFFFF  }
0x98: {  	s18 =	sld [smem:$0x3FDB];
	_ =	sdelay $0x1  }
0x99: {  	s19 =	simm.s32 $_scs_section_size  }
0x9a: {  	s4 =	simm.s32 $_size__tile_overlayer_lowered;
	s5 =	simm.s32 $_tile_overlayer_lowered  }
0x9b: {  	s22 =	simm.s32 $0x1BFF;
	s21 =	sshll.u32 s5, $0x1;
	s2 =	sadd.s32 s19, s18  }
0x9c: {  	s6 =	simm.s32 $0x0;
	s20 =	sshll.u32 s4, $0x1;
	s4 =	sadd.s32 s21, s2  }
0x9d: {  	[timem:s6], [sflag:s22] =	dma.local [hbm:s4], s20  }
0x9e: {  	_ =	swait.ge [sflag:s22], s20  }
0x9f: {  	s3 =	ssub.s32 $0x0, s20;
	[sflag:s22] =	ssyncset.done $0x0  }
0xa0: {  	[sflag:s22] =	ssyncadd.s32 s3;
	_ =	sdelay $0x1  }
0xa1: {  	s23 =	simm.s32 $0x1B8B  }
0xa2: {  	_ =	swait.ge [sflag:s23], $0x1  }
0xa3: {  	[sflag:s23] =	ssyncset.done $0x0  }
0xa4: {  	s25 =	simm.s32 $0x1B8E;
	s24 =	sld [smem:$0x3FFE];
	[sflag:s23] =	ssyncadd.s32 $0xFFFFFFFF  }
0xa5: {  	s26 =	simm.s32 $execute0_lowered;
	[smem:$0x3FD2] =	sst s25  }
0xa6: {  	s4 =	sshll.u32 s26, $0x1;
	_ =	strace $0x80000049;
	[dreg:$0x1] =	wrdreg $0xFFFFFFFF  }
0xa7: {  	s28 =	simm.s32 $_size_execute0_lowered;
	s2 =	sadd.s32 s2, s4;
	[dreg:$0x0] =	wrdreg $0x0  }
0xa8: {  	s4 =	sshll.u32 s28, $0x1;
	[dreg:$0x2] =	wrdreg s2  }
0xa9: {  	[dreg:$0x3] =	wrdreg s4  }
0xaa: {  	[dreg:$0x4] =	wrdreg $0xC0  }
0xab: {  	_ =	task [dreg:s6], $0x5FFFF  }
0xac: {  	[dreg:$0x1] =	wrdreg $0xFFFFFFFF  }
0xad: {  	[dreg:$0x0] =	wrdreg $0x60  }
0xae: {  	[dreg:$0x2] =	wrdreg s24  }
0xaf: {  	[dreg:$0x3] =	wrdreg $0x84D00  }
0xb0: {  	[dreg:$0x4] =	wrdreg $0x9  }
0xb1: {  	_ =	task.clear_ibuf [dreg:s6], $0x5FFFF;
	_ =	strace $0x90000049  }
0xb2: {  	s29 =	simm.s32 $0x9;
	_ =	strace $0x8000004B  }
0xb3: {  	_ =	swait.ge [sflag:s29], $0x1  }
0xb4: {  	[sflag:s29] =	ssyncadd.s32 $0xFFFFFFFF  }
0xb5: {  	_ =	strace $0x9000004B  }
0xb6: {  	_ =	sfence  }
0xb7: {  	s30 =	sld [smem:$0x0];
	_ =	sdelay $0x2  }
0xb8: {  	s31 =	sshll.u32 s1, $0xD;
	s1 =	sshrl.u32 s1, $0x2  }
0xb9: {  	s3 =	sand.u32 $0x4000, s31;
	s1 =	sadd.s32 s1, s30  }
0xba: {  	s0 =	sor.u32 s3, s0;
	s1 =	sshll.u32 s1, $0x11  }
0xbb: {  	s0 =	sor.u32 s1, s0  }
0xbc: {  	s0 =	sadd.s32 $0x8F2B, s0  }
0xbd: {  	[sflag:s0] =	ssyncadd.remote.s32 $0x1  }
0xbe: {  	_ =	sfence.sel $0xFFFF  }
0xbf: {  	[dreg:$0x0] =	wrdreg $0xFFFFFFFF;
	(pc) =	sbr.abs _section_cstart, $3  }
0xc0: {  	[dreg:$0x1] =	wrdreg $0xFFFFFFFF  }
0xc1: {  	_ =	task.clear_ibuf [dreg:s6], $0x2FFFF;
	_ =	strace $0x9FFFFFFF  }
0xc2: {  	(tm) =	ssettm $0x7FFFFFFF  }
0xc3: {  	_ =	shalt  }
tec
execute0_lowered:
.L_overlay_start_1:
0x0: {  	(tag) =	ssettag $0x1  }
0x1: {  	s4 =	rddreg [dreg:$0x0]  }
0x2: {  	s2 =	rddreg [dreg:$0x1]  }
0x3: {  	s0 =	rddreg [dreg:$0x2];
	s5 =	srdreg.scid  }
0x4: {  	s1 =	stileid.u32;
	s3 =	simm.s32 $0x0;
	s19 =	simm.s32 $0x0  }
0x5: {  	s5 =	sand.u32 $0x1, s5;
	s6 =	smul.u32 $0x2710, s1;
	[smem:$0x7FF] =	sst s3  }
0x6: {  	s14 =	sadd.s32 $0x3DA00, s4;
	s8 =	sshll.u32 s1, $0x1;
	s13 =	sadd.s32 $0x33C00, s4  }
0x7: {  	s7 =	smul.u32 $0x27100, s5;
	s8 =	sor.u32 s5, s8;
	s5 =	ssub.s32 $0x2, s5  }
0x8: {  	_ =	strace $0x8000004A;
	s11 =	smul.u32 $0x2710, s8;
	s23 =	sshrl.u32 s5, $0x1  }
0x9: {  	s24 =	smul.u32 $0x4E20, s8;
	s7 =	sadd.s32 s6, s7;
	s16 =	ssub.s32 s5, s23  }
0xa: {  	s7 =	sshrl.u32 s7, $0x3;
	s25 =	sshrl.u32 s11, $0x3;
	s26 =	sadd.s32 $0x7D0, s11  }
0xb: {  	s10 =	sadd.s32 $0xFA0, s11;
	s12 =	sadd.s32 $0x1770, s11;
	s18 =	sadd.s32 $0x1F40, s11  }
0xc: {  	s16 =	smax.u32 s16, $0x1;
	s15 =	sadd.s32 s7, s4;
	s4 =	sadd.s32 s6, s2  }
0xd: {  	s5 =	sadd.s32 s13, s25;
	s6 =	sadd.s32 s14, s24;
	s28 =	sshrl.u32 s26, $0x3  }
0xe: {  	s9 =	sshll.u32 s26, $0x1;
	s29 =	sshrl.u32 s10, $0x3;
	s10 =	sshll.u32 s10, $0x1  }
0xf: {  	s17 =	sshrl.u32 s12, $0x3;
	s12 =	sshll.u32 s12, $0x1;
	s30 =	sshrl.u32 s18, $0x3  }
0x10: {  	s31 =	sshll.u32 s18, $0x1;
	s18 =	simm.s32 $0x1;
	s7 =	sadd.s32 s13, s28  }
0x11: {  	s8 =	sadd.s32 s14, s9;
	s9 =	sadd.s32 s13, s29;
	s10 =	sadd.s32 s14, s10  }
0x12: {  	s11 =	sadd.s32 s13, s17;
	s12 =	sadd.s32 s14, s12;
	s13 =	sadd.s32 s13, s30  }
0x13: {  	v0 =	vimm.f32 $0.0e+00;
	s14 =	sadd.s32 s14, s31;
	s15 =	sadd.s32 $0x29E00, s15;
	s17 =	simm.s32 $0x7D0  }
.LBB2_1:
0x14: {  	s20 =	simm.s32 $0x40;
	s21 =	simm.s32 $0x0  }
.LBB2_2:
0x15: {  	p0 =	sne.s32 s20, $0x9C00;
	[tilespmem:s21+$0x7D0] =	vst v0;
	s21 =	smov.u32 s20;
	s20 =	sadd.s32 $0x40, s20  }
.Ltmp0:
0x16: {  	(pc) =	sbr.rel @p0 .LBB2_2-.Ltmp0, $2  }
0x17: {  	_ =	sdelay $0x2  }
0x18: {  	s21 =	sshra.s32 s21, $0x2  }
0x19: {  	[tilespmem:s21+$0x7D0] =	vst v0  }
0x1a: {  	[spmem:s4] =	stream.linear.scatter [tilespmem:s17], [sflag:$0x1], $0x2710, $0x38;
	[tilespmem:$0xABE0] =	vst v63  }
0x1b: {  	_ =	swait.ge [sflag:s18], $0x2710  }
0x1c: {  	[sflag:s18] =	ssyncset.done $0x0  }
0x1d: {  	[sflag:s18] =	ssyncadd.s32 $0xFFFFD8F0  }
0x1e: {  	[bflag:$0x0] =	sbarrier.arrive $0xFFFF  }
0x1f: {  	[tilespmem:s3], [sflag:$0x1] =	stream.linear.gather [hbm4b:s5+s3], $0x7D0, $0x38;
	[tilespmem:$0xABE0] =	vst v63  }
0x20: {  	_ =	swait.ge [sflag:s18], $0x7D0  }
0x21: {  	[sflag:s18] =	ssyncset.done $0x0  }
0x22: {  	[sflag:s18] =	ssyncadd.s32 $0xFFFFF830  }
0x23: {  	[tilespmem:s17], [sflag:$0x1] =	stream.linear.gather [hbm4b:s6+s3], $0x7D00, $0x38;
	[tilespmem:$0xABE0] =	vst v63  }
0x24: {  	_ =	swait.ge [sflag:s18], $0x7D00  }
0x25: {  	[sflag:s18] =	ssyncset.done $0x0  }
0x26: {  	[sflag:s18] =	ssyncadd.s32 $0xFFFF8300  }
0x27: {  	[spmem:s2] =	stream.indirect.scatter.add.f32 [tilespmem:s17], [sflag:$0x1], $0x10, s3, s17, $0xb8;
	[tilespmem:$0xABE0] =	vst v63  }
0x28: {  	_ =	swait.ge [sflag:s18], $0x7D00  }
0x29: {  	[sflag:s18] =	ssyncset.done $0x0  }
0x2a: {  	[sflag:s18] =	ssyncadd.s32 $0xFFFF8300  }
0x2b: {  	[tilespmem:s3], [sflag:$0x1] =	stream.linear.gather [hbm4b:s7+s3], $0x7D0, $0x38;
	[tilespmem:$0xABE0] =	vst v63  }
0x2c: {  	_ =	swait.ge [sflag:s18], $0x7D0  }
0x2d: {  	[sflag:s18] =	ssyncset.done $0x0  }
0x2e: {  	[sflag:s18] =	ssyncadd.s32 $0xFFFFF830  }
0x2f: {  	[tilespmem:s17], [sflag:$0x1] =	stream.linear.gather [hbm4b:s8+s3], $0x7D00, $0x38;
	[tilespmem:$0xABE0] =	vst v63  }
0x30: {  	_ =	swait.ge [sflag:s18], $0x7D00  }
0x31: {  	[sflag:s18] =	ssyncset.done $0x0  }
0x32: {  	[sflag:s18] =	ssyncadd.s32 $0xFFFF8300  }
0x33: {  	[spmem:s2] =	stream.indirect.scatter.add.f32 [tilespmem:s17], [sflag:$0x1], $0x10, s3, s17, $0xb8;
	[tilespmem:$0xABE0] =	vst v63  }
0x34: {  	_ =	swait.ge [sflag:s18], $0x7D00  }
0x35: {  	[sflag:s18] =	ssyncset.done $0x0  }
0x36: {  	[sflag:s18] =	ssyncadd.s32 $0xFFFF8300  }
0x37: {  	[tilespmem:s3], [sflag:$0x1] =	stream.linear.gather [hbm4b:s9+s3], $0x7D0, $0x38;
	[tilespmem:$0xABE0] =	vst v63  }
0x38: {  	_ =	swait.ge [sflag:s18], $0x7D0  }
0x39: {  	[sflag:s18] =	ssyncset.done $0x0  }
0x3a: {  	[sflag:s18] =	ssyncadd.s32 $0xFFFFF830  }
0x3b: {  	[tilespmem:s17], [sflag:$0x1] =	stream.linear.gather [hbm4b:s10+s3], $0x7D00, $0x38;
	[tilespmem:$0xABE0] =	vst v63  }
0x3c: {  	_ =	swait.ge [sflag:s18], $0x7D00  }
0x3d: {  	[sflag:s18] =	ssyncset.done $0x0  }
0x3e: {  	[sflag:s18] =	ssyncadd.s32 $0xFFFF8300  }
0x3f: {  	[spmem:s2] =	stream.indirect.scatter.add.f32 [tilespmem:s17], [sflag:$0x1], $0x10, s3, s17, $0xb8;
	[tilespmem:$0xABE0] =	vst v63  }
0x40: {  	_ =	swait.ge [sflag:s18], $0x7D00  }
0x41: {  	[sflag:s18] =	ssyncset.done $0x0  }
0x42: {  	[sflag:s18] =	ssyncadd.s32 $0xFFFF8300  }
0x43: {  	[tilespmem:s3], [sflag:$0x1] =	stream.linear.gather [hbm4b:s11+s3], $0x7D0, $0x38;
	[tilespmem:$0xABE0] =	vst v63  }
0x44: {  	_ =	swait.ge [sflag:s18], $0x7D0  }
0x45: {  	[sflag:s18] =	ssyncset.done $0x0  }
0x46: {  	[sflag:s18] =	ssyncadd.s32 $0xFFFFF830  }
0x47: {  	[tilespmem:s17], [sflag:$0x1] =	stream.linear.gather [hbm4b:s12+s3], $0x7D00, $0x38;
	[tilespmem:$0xABE0] =	vst v63  }
0x48: {  	_ =	swait.ge [sflag:s18], $0x7D00  }
0x49: {  	[sflag:s18] =	ssyncset.done $0x0  }
0x4a: {  	[sflag:s18] =	ssyncadd.s32 $0xFFFF8300  }
0x4b: {  	[spmem:s2] =	stream.indirect.scatter.add.f32 [tilespmem:s17], [sflag:$0x1], $0x10, s3, s17, $0xb8;
	[tilespmem:$0xABE0] =	vst v63  }
0x4c: {  	_ =	swait.ge [sflag:s18], $0x7D00  }
0x4d: {  	[sflag:s18] =	ssyncset.done $0x0  }
0x4e: {  	[sflag:s18] =	ssyncadd.s32 $0xFFFF8300  }
0x4f: {  	[tilespmem:s3], [sflag:$0x1] =	stream.linear.gather [hbm4b:s13+s3], $0x7D0, $0x38;
	[tilespmem:$0xABE0] =	vst v63  }
0x50: {  	_ =	swait.ge [sflag:s18], $0x7D0  }
0x51: {  	[sflag:s18] =	ssyncset.done $0x0  }
0x52: {  	[sflag:s18] =	ssyncadd.s32 $0xFFFFF830  }
0x53: {  	[tilespmem:s17], [sflag:$0x1] =	stream.linear.gather [hbm4b:s14+s3], $0x7D00, $0x38;
	[tilespmem:$0xABE0] =	vst v63  }
0x54: {  	_ =	swait.ge [sflag:s18], $0x7D00  }
0x55: {  	[sflag:s18] =	ssyncset.done $0x0  }
0x56: {  	[sflag:s18] =	ssyncadd.s32 $0xFFFF8300  }
0x57: {  	[spmem:s2] =	stream.indirect.scatter.add.f32 [tilespmem:s17], [sflag:$0x1], $0x10, s3, s17, $0xb8;
	[tilespmem:$0xABE0] =	vst v63  }
0x58: {  	_ =	swait.ge [sflag:s18], $0x7D00  }
0x59: {  	[sflag:s18] =	ssyncset.done $0x0  }
0x5a: {  	[sflag:s18] =	ssyncadd.s32 $0xFFFF8300  }
0x5b: {  	[bflag:$0x0] =	sbarrier.arrive $0xFFFF  }
0x5c: {  	[tilespmem:s17], [sflag:$0x1] =	stream.linear.gather [spmem:s4], $0x2710, $0x38;
	[tilespmem:$0xABE0] =	vst v63  }
0x5d: {  	s19 =	sadd.s32 $0x1, s19;
	_ =	swait.ge [sflag:s18], $0x2710  }
0x5e: {  	p0 =	sne.s32 s19, s16;
	[sflag:s18] =	ssyncset.done $0x0  }
.Ltmp1:
0x5f: {  	[sflag:s18] =	ssyncadd.s32 $0xFFFFD8F0;
	(pc) =	sbr.rel @p0 .LBB2_1-.Ltmp1, $4  }
0x60: {  	[hbm4b:s15+s3] =	stream.linear.scatter [tilespmem:s17], [sflag:$0x1], $0x2710, $0x38;
	[tilespmem:$0xABE0] =	vst v63  }
0x61: {  	_ =	swait.ge [sflag:s18], $0x2710  }
0x62: {  	[sflag:s18] =	ssyncset.done $0x0  }
0x63: {  	[sflag:s18] =	ssyncadd.s32 $0xFFFFD8F0  }
0x64: {  	_ =	sfence.sel $0x180000  }
0x65: {  	[bflag:$0x0] =	sbarrier.arrive $0xFFFF  }
0x66: {  	p0 =	sne.s32 s1, $0x0;
	_ =	strace $0x9000004A  }
0x67: {  	s0 =	sadd.s32 @!p0 $0x100000, s0;
	[bflag:$0x2] =	sbarrier.arrive $0xFFFF  }
0x68: {  	[sflag:s0] =	ssyncadd.tile.s32 @!p0 $0x1;
	_ =	shalt  }
.Lfunc_end2:
_tile_overlayer_lowered:
.L_overlay_start_2:
0x69: {  	(tag) =	ssettag $0x2  }
0x6a: {  	s0 =	rddreg [dreg:$0x0];
	s2 =	stileid.u32  }
0x6b: {  	s1 =	rddreg [dreg:$0x1];
	p0 =	sne.s32 s2, $0x0  }
0x6c: {  	s3 =	rddreg [dreg:$0x2];
	[bflag:$0x3] =	sbarrier.arrive $0xFFFF;
	s2 =	simm.s32 @!p0 $0x1C01  }
0x6d: {  	[timem:s3], [sflag:s2] =	dma.local @!p0 [hbm:s0], s1  }
0x6e: {  	s0 =	simm.s32 @!p0 $0x1  }
0x6f: {  	_ =	swait.ge @!p0 [sflag:s0], s1  }
0x70: {  	s1 =	ssub.s32 @!p0 $0x0, s1;
	[sflag:s0] =	ssyncset.done @!p0 $0x0  }
0x71: {  	[sflag:s0] =	ssyncadd.s32 @!p0 s1  }
0x72: {  	[bflag:$0x3] =	sbarrier.arrive $0xFFFF  }
0x73: {  	_ =	shalt  }

</sc_bundles>
